<compile_context>
chip_gen: v7x
topology: tpu7x:2x2x1
jax: 0.10.2.dev20260603
libtpu: 0.0.44.dev20260713+nightly
codegen_flags: <defaults>
</compile_context>

<pallas_src>
import functools

import jax
import jax.numpy as jnp
from jax import lax
from jax.experimental import pallas as pl
from jax.experimental.pallas import tpu as pltpu
from jax.experimental.pallas import tpu_sc as plsc

_N = 10000
_NP = 10112
_E = 160000
_EP = 163840
_DIN = 128
_DE = 16
_HID = 64
_H = 16
_OUT = 16

_CHUNK = 128
_ROWS = _EP // _CHUNK
_EB = 4000
_W = 128
_SW = 32


def _sc_dims():
    try:
        info = plsc.get_sparse_core_info()
        return info.num_cores, info.num_subcores
    except Exception:
        return 2, 16



def _gather_rows(table, idx2d, d, row0=0, nrows=_ROWS):
    nc, ns = _sc_dims()
    rpw = nrows // (nc * ns)
    n_tab = table.shape[0]
    tps = (n_tab // ns) // 8 * 8
    tail = n_tab - ns * tps
    mesh = plsc.VectorSubcoreMesh(core_axis_name="c", subcore_axis_name="s")

    if d <= 16:
        @functools.partial(
            pl.kernel,
            out_type=jax.ShapeDtypeStruct((nrows * _CHUNK, _W), jnp.float32),
            mesh=mesh,
            scratch_types=[
                pltpu.VMEM((rpw, _CHUNK), jnp.int32),
                pltpu.VMEM((rpw * _CHUNK, d), jnp.float32),
                pltpu.VMEM_SHARED((n_tab, d), jnp.float32),
                pltpu.SemaphoreType.DMA,
            ],
            compiler_params=pltpu.CompilerParams(use_tc_tiling_on_sc=False),
        )
        def kn(table_hbm, idx_hbm, out_hbm, idx_v, rows_v, tab_sh, sem):
            s = lax.axis_index("s")
            w = s * nc + lax.axis_index("c")
            t0 = s * tps
            pltpu.sync_copy(table_hbm.at[pl.ds(t0, tps), pl.ds(0, d)],
                            tab_sh.at[pl.ds(t0, tps)])
            if tail:
                @pl.when(s == ns - 1)
                def _():
                    pltpu.sync_copy(table_hbm.at[pl.ds(ns * tps, tail), pl.ds(0, d)],
                                    tab_sh.at[pl.ds(ns * tps, tail)])
            r0 = w * rpw
            pltpu.sync_copy(idx_hbm.at[pl.ds(row0 + r0, rpw)], idx_v)
            plsc.subcore_barrier()

            def fire(j, carry):
                pltpu.async_copy(
                    tab_sh.at[idx_v.at[j]],
                    rows_v.at[pl.ds(j * _CHUNK, _CHUNK)], sem)
                return carry

            lax.fori_loop(0, rpw, fire, 0)

            def drain(j, carry):
                pltpu.make_async_copy(
                    tab_sh.at[idx_v.at[j]],
                    rows_v.at[pl.ds(j * _CHUNK, _CHUNK)], sem).wait()
                return carry

            lax.fori_loop(0, rpw, drain, 0)
            pltpu.sync_copy(rows_v,
                            out_hbm.at[pl.ds(r0 * _CHUNK, rpw * _CHUNK), pl.ds(0, d)])

        return kn(table, idx2d)

    @functools.partial(
        pl.kernel,
        out_type=jax.ShapeDtypeStruct((nrows * _CHUNK, d), jnp.float32),
        mesh=mesh,
        scratch_types=[
            pltpu.VMEM((rpw, _CHUNK), jnp.int32),
            pltpu.VMEM((2, _CHUNK, d), jnp.float32),
            pltpu.VMEM_SHARED((n_tab, d), jnp.float32),
            pltpu.SemaphoreType.DMA,
            pltpu.SemaphoreType.DMA,
        ],
        compiler_params=pltpu.CompilerParams(use_tc_tiling_on_sc=False),
    )
    def k(table_hbm, idx_hbm, out_hbm, idx_v, rows_v, tab_sh, sem0, sem1):
        s = lax.axis_index("s")
        w = s * nc + lax.axis_index("c")
        t0 = s * tps
        pltpu.sync_copy(table_hbm.at[pl.ds(t0, tps)], tab_sh.at[pl.ds(t0, tps)])
        if tail:
            @pl.when(s == ns - 1)
            def _():
                pltpu.sync_copy(table_hbm.at[pl.ds(ns * tps, tail)],
                                tab_sh.at[pl.ds(ns * tps, tail)])
        r0 = w * rpw
        pltpu.sync_copy(idx_hbm.at[pl.ds(row0 + r0, rpw)], idx_v)
        plsc.subcore_barrier()

        pltpu.async_copy(tab_sh.at[idx_v.at[0]], rows_v.at[0], sem0)

        def body(jj, carry):
            j0 = 2 * jj
            j1 = j0 + 1
            pltpu.async_copy(tab_sh.at[idx_v.at[j1]], rows_v.at[1], sem1)
            pltpu.make_async_copy(tab_sh.at[idx_v.at[j0]], rows_v.at[0], sem0).wait()
            pltpu.sync_copy(rows_v.at[0], out_hbm.at[pl.ds((r0 + j0) * _CHUNK, _CHUNK)])

            @pl.when(j0 + 2 < rpw)
            def _():
                pltpu.async_copy(tab_sh.at[idx_v.at[j0 + 2]], rows_v.at[0], sem0)

            pltpu.make_async_copy(tab_sh.at[idx_v.at[j1]], rows_v.at[1], sem1).wait()
            pltpu.sync_copy(rows_v.at[1], out_hbm.at[pl.ds((r0 + j1) * _CHUNK, _CHUNK)])
            return carry

        lax.fori_loop(0, rpw // 2, body, 0)

    return k(table, idx2d)



def _scatter_add(msg, dst2d, zeros_n, row0=0, nrows=_ROWS):
    nc, ns = _sc_dims()
    rpw = nrows // (nc * ns)
    nz = _NP // ns
    mesh = plsc.VectorSubcoreMesh(core_axis_name="c", subcore_axis_name="s")

    @functools.partial(
        pl.kernel,
        out_type=jax.ShapeDtypeStruct((nc, _NP, _W), jnp.float32),
        mesh=mesh,
        scratch_types=[
            pltpu.VMEM((rpw, _CHUNK), jnp.int32),
            pltpu.VMEM((2, _CHUNK, _SW), jnp.float32),
            pltpu.VMEM_SHARED((_NP, _SW), jnp.float32),
            pltpu.SemaphoreType.DMA,
            pltpu.SemaphoreType.DMA,
        ],
        compiler_params=pltpu.CompilerParams(use_tc_tiling_on_sc=False),
    )
    def k(msg_hbm, dst_hbm, zeros_hbm, s_out, idx_v, mv, s_sh, sem0, sem1):
        c = lax.axis_index("c")
        s = lax.axis_index("s")
        w = s * nc + c
        rz = s * nz
        pltpu.sync_copy(zeros_hbm.at[pl.ds(rz, nz), pl.ds(0, _SW)],
                        s_sh.at[pl.ds(rz, nz)])
        r0 = w * rpw
        pltpu.sync_copy(dst_hbm.at[pl.ds(row0 + r0, rpw)], idx_v)
        plsc.subcore_barrier()

        def load(j, buf, sem):
            return pltpu.async_copy(
                msg_hbm.at[pl.ds((r0 + j) * _CHUNK, _CHUNK), pl.ds(0, _SW)],
                buf, sem)

        load(0, mv.at[0], sem0)

        def body(jj, carry):
            j0 = 2 * jj
            j1 = j0 + 1
            load(j1, mv.at[1], sem1)
            pltpu.make_async_copy(
                msg_hbm.at[pl.ds((r0 + j0) * _CHUNK, _CHUNK), pl.ds(0, _SW)],
                mv.at[0], sem0).wait()
            pltpu.sync_copy(mv.at[0], s_sh.at[idx_v.at[j0]], add=True)

            @pl.when(j0 + 2 < rpw)
            def _():
                load(j0 + 2, mv.at[0], sem0)

            pltpu.make_async_copy(
                msg_hbm.at[pl.ds((r0 + j1) * _CHUNK, _CHUNK), pl.ds(0, _SW)],
                mv.at[1], sem1).wait()
            pltpu.sync_copy(mv.at[1], s_sh.at[idx_v.at[j1]], add=True)
            return carry

        lax.fori_loop(0, rpw // 2, body, 0)

        plsc.subcore_barrier()
        pltpu.sync_copy(s_sh.at[pl.ds(rz, nz)],
                        s_out.at[c, pl.ds(rz, nz), pl.ds(0, _SW)])

    return k(msg, dst2d, zeros_n)



def _edge_messages1(xj, ea_bf, Wa, ba, W2d_bf, bbr, kmat, eb, grid, blk0, out_rows):

    def body(xj_ref, ea_ref, wa_ref, ba_ref, w2d_ref, bbr_ref, k_ref, out_ref):
        h = jax.nn.relu(
            jnp.dot(ea_ref[...], wa_ref[...], preferred_element_type=jnp.float32)
            + ba_ref[...]
        ).astype(jnp.bfloat16)
        xb = xj_ref[...].astype(jnp.bfloat16)
        g = jnp.dot(xb, w2d_ref[...],
                    preferred_element_type=jnp.float32).astype(jnp.bfloat16)
        hh = jnp.concatenate([h] * _H, axis=1)
        p = g * hh
        out_ref[:, 0:_H] = (
            jnp.dot(p, k_ref[...], preferred_element_type=jnp.float32)
            + jnp.dot(xb, bbr_ref[...], preferred_element_type=jnp.float32)
        )
        out_ref[:, _H:_H + 1] = jnp.ones((eb, 1), jnp.float32)

    return pl.pallas_call(
        body,
        grid=(grid,),
        in_specs=[
            pl.BlockSpec((eb, _DIN), lambda i: (i, 0)),
            pl.BlockSpec((eb, _DE), lambda i: (i + blk0, 0)),
            pl.BlockSpec((_DE, _HID), lambda i: (0, 0)),
            pl.BlockSpec((1, _HID), lambda i: (0, 0)),
            pl.BlockSpec((_DIN, _H * _HID), lambda i: (0, 0)),
            pl.BlockSpec((_DIN, _H), lambda i: (0, 0)),
            pl.BlockSpec((_H * _HID, _H), lambda i: (0, 0)),
        ],
        out_specs=pl.BlockSpec((eb, _W), lambda i: (i, 0)),
        out_shape=jax.ShapeDtypeStruct((out_rows, _W), jnp.float32),
    )(xj, ea_bf, Wa, ba, W2d_bf, bbr, kmat)


def _edge_messages2(h1j, ea_bf, Wa, ba, Wb, bb, rmat, k16):
    grid = _E // _EB

    def body(hj_ref, ea_ref, wa_ref, ba_ref, wb_ref, bb_ref, r_ref, k_ref, out_ref):
        h = jax.nn.relu(
            jnp.dot(ea_ref[...], wa_ref[...], preferred_element_type=jnp.float32)
            + ba_ref[...]
        )
        w2 = jnp.dot(h, wb_ref[...], preferred_element_type=jnp.float32) + bb_ref[...]
        rep = jnp.dot(hj_ref[:, 0:_H].astype(jnp.bfloat16), r_ref[...],
                      preferred_element_type=jnp.float32)
        p = (w2 * rep).astype(jnp.bfloat16)
        out_ref[:, 0:_H] = jnp.dot(p, k_ref[...], preferred_element_type=jnp.float32)
        out_ref[:, _H:_H + 1] = jnp.ones((_EB, 1), jnp.float32)

    return pl.pallas_call(
        body,
        grid=(grid,),
        in_specs=[
            pl.BlockSpec((_EB, _W), lambda i: (i, 0)),
            pl.BlockSpec((_EB, _DE), lambda i: (i, 0)),
            pl.BlockSpec((_DE, _HID), lambda i: (0, 0)),
            pl.BlockSpec((1, _HID), lambda i: (0, 0)),
            pl.BlockSpec((_HID, _H * _H), lambda i: (0, 0)),
            pl.BlockSpec((1, _H * _H), lambda i: (0, 0)),
            pl.BlockSpec((_H, _H * _H), lambda i: (0, 0)),
            pl.BlockSpec((_H * _H, _H), lambda i: (0, 0)),
        ],
        out_specs=pl.BlockSpec((_EB, _W), lambda i: (i, 0)),
        out_shape=jax.ShapeDtypeStruct((_EP, _W), jnp.float32),
    )(h1j, ea_bf, Wa, ba, Wb, bb, rmat, k16)



def _node_update(parts, feats, root, bias, wfc=None, bfc=None):
    np_ = len(parts)

    def body(*refs):
        srefs = refs[:np_]
        if wfc is None:
            fr, rr, br, out = refs[np_:]
        else:
            fr, rr, br, wr, bwr, out = refs[np_:]
        ssum = srefs[0][0:_N, 0:_SW]
        for sr in srefs[1:]:
            ssum = ssum + sr[0:_N, 0:_SW]
        cnt = jnp.maximum(ssum[:, _H:_H + 1], 1.0)
        f = fr[...]
        if f.shape[1] > root.shape[0]:
            f = f[:, 0:root.shape[0]]
        h = jax.nn.relu(
            ssum[:, 0:_H] / cnt
            + jnp.dot(f, rr[...], preferred_element_type=jnp.float32)
            + br[...]
        )
        if wfc is None:
            out[:, 0:_H] = h
        else:
            out[...] = (
                jnp.dot(h, wr[...], preferred_element_type=jnp.float32) + bwr[...]
            )

    args = list(parts) + [feats, root, bias]
    if wfc is not None:
        args += [wfc, bfc]
    if wfc is None:
        out_sds = jax.ShapeDtypeStruct((_N, _W), jnp.float32)
    else:
        out_sds = jax.ShapeDtypeStruct((_N, _OUT), jnp.float32)
    return pl.pallas_call(
        body,
        out_shape=out_sds,
    )(*args)



def kernel(x, edge_index, edge_attr, Wa1, ba1, Wb1, bb1, root1, bias1,
           Wa2, ba2, Wb2, bb2, root2, bias2, Wfc, bfc):
    pad = _EP - _E
    src2d = jnp.concatenate(
        [edge_index[0].astype(jnp.int32), jnp.zeros((pad,), jnp.int32)]
    ).reshape(_ROWS, _CHUNK)
    dst2d = jnp.concatenate(
        [edge_index[1].astype(jnp.int32), jnp.full((pad,), _N, jnp.int32)]
    ).reshape(_ROWS, _CHUNK)
    ea_bf = edge_attr.astype(jnp.bfloat16)

    w2d1 = (Wb1.reshape(_HID, _DIN, _H).transpose(1, 2, 0)
            .reshape(_DIN, _H * _HID).astype(jnp.bfloat16))
    bb1r = bb1.reshape(_DIN, _H).astype(jnp.bfloat16)
    wa1_bf = Wa1.astype(jnp.bfloat16)
    wa2_bf = Wa2.astype(jnp.bfloat16)
    kmat = jnp.repeat(jnp.eye(_H, dtype=jnp.bfloat16), _HID, axis=0)
    rmat = jnp.repeat(jnp.eye(_H, dtype=jnp.bfloat16), _H, axis=1)
    k16 = jnp.tile(jnp.eye(_H, dtype=jnp.bfloat16), (_H, 1))
    zeros_n = jnp.zeros((_NP, _W), jnp.float32)

    xj = _gather_rows(x, src2d, _DIN)
    msg1 = _edge_messages1(xj, ea_bf, wa1_bf, ba1.reshape(1, _HID), w2d1, bb1r,
                           kmat, _EB, _E // _EB, 0, _EP)
    s1 = _scatter_add(msg1, dst2d, zeros_n)
    h1 = _node_update([s1[0], s1[1]], x, root1, bias1.reshape(1, _H))

    h1j = _gather_rows(h1, src2d, _H)
    msg2 = _edge_messages2(h1j, ea_bf, wa2_bf, ba2.reshape(1, _HID), Wb2,
                           bb2.reshape(1, _H * _H), rmat, k16)
    s2 = _scatter_add(msg2, dst2d, zeros_n)
    out = _node_update([s2[0], s2[1]], h1, root2, bias2.reshape(1, _H),
                       Wfc, bfc.reshape(1, _OUT))
    return out

# --- scband reference (transcript-rebuilt; emitter-appended) ---
"""Pipeline reference for scband-main-gnn-14362370638529 (READ-ONLY COPY).

The authoritative reference and input builder live on the scoring server;
editing this copy changes nothing except your own understanding.
"""

import jax, jax.numpy as jnp
import numpy as np

N = 10000
E = 160000
D_IN = 128
D_EDGE = 16
H = 16
OUT = 16


def setup_inputs(seed: int = 0) -> dict:
    key = jax.random.key(seed)
    ks = jax.random.split(key, 16)
    inp = {}
    inp["x"] = jax.random.normal(ks[0], (N, D_IN), dtype=jnp.float32)
    inp["edge_index"] = jax.random.randint(ks[1], (2, E), 0, N)
    inp["edge_attr"] = jax.random.normal(ks[2], (E, D_EDGE), dtype=jnp.float32)
    # edge_nn1: Linear(D_EDGE,64) -> ReLU -> Linear(64, D_IN*H)
    inp["Wa1"] = jax.random.normal(ks[3], (D_EDGE, 64), dtype=jnp.float32) / np.sqrt(D_EDGE)
    inp["ba1"] = jnp.zeros((64,), jnp.float32)
    inp["Wb1"] = jax.random.normal(ks[4], (64, D_IN * H), dtype=jnp.float32) / np.sqrt(64)
    inp["bb1"] = jnp.zeros((D_IN * H,), jnp.float32)
    inp["root1"] = jax.random.normal(ks[5], (D_IN, H), dtype=jnp.float32) / np.sqrt(D_IN)
    inp["bias1"] = jnp.zeros((H,), jnp.float32)
    # edge_nn2: Linear(D_EDGE,64) -> ReLU -> Linear(64, H*H)
    inp["Wa2"] = jax.random.normal(ks[6], (D_EDGE, 64), dtype=jnp.float32) / np.sqrt(D_EDGE)
    inp["ba2"] = jnp.zeros((64,), jnp.float32)
    inp["Wb2"] = jax.random.normal(ks[7], (64, H * H), dtype=jnp.float32) / np.sqrt(64)
    inp["bb2"] = jnp.zeros((H * H,), jnp.float32)
    inp["root2"] = jax.random.normal(ks[8], (H, H), dtype=jnp.float32) / np.sqrt(H)
    inp["bias2"] = jnp.zeros((H,), jnp.float32)
    # fc: Linear(H, OUT)
    inp["Wfc"] = jax.random.normal(ks[9], (H, OUT), dtype=jnp.float32) / np.sqrt(H)
    inp["bfc"] = jnp.zeros((OUT,), jnp.float32)
    return inp


def _nnconv_mean(x, src, dst, edge_attr, Wa, ba, Wb, bb, root, bias, cin, cout):
    # edge MLP -> per-edge weight matrix [E, cin, cout]
    h = jax.nn.relu(edge_attr @ Wa + ba)
    w = (h @ Wb + bb).reshape(-1, cin, cout)
    # message: x_j @ W_e  (gather sources)
    xj = jnp.take(x, src, axis=0)
    msg = jnp.einsum("ei,eio->eo", xj, w)
    # mean aggregation at destinations (scatter-add / count)
    n = x.shape[0]
    s = jax.ops.segment_sum(msg, dst, num_segments=n)
    cnt = jax.ops.segment_sum(jnp.ones((src.shape[0],), jnp.float32), dst, num_segments=n)
    agg = s / jnp.clip(cnt, 1.0)[:, None]
    # root weight + bias
    return agg + x @ root + bias


def reference(x, edge_index, edge_attr, Wa1, ba1, Wb1, bb1, root1, bias1, Wa2, ba2, Wb2, bb2, root2, bias2, Wfc, bfc):
    src = edge_index[0]
    dst = edge_index[1]
    h1 = _nnconv_mean(x, src, dst, edge_attr, Wa1, ba1, Wb1, bb1, root1, bias1, D_IN, H)
    h1 = jax.nn.relu(h1)
    h2 = _nnconv_mean(h1, src, dst, edge_attr, Wa2, ba2, Wb2, bb2, root2, bias2, H, H)
    h2 = jax.nn.relu(h2)
    out = h2 @ Wfc + bfc
    return out

if __name__ == "__main__":
    import jax
    _d = setup_inputs()
    print(jax.jit(kernel)(*tuple(_d.values())))

</pallas_src>

<mosaic_0001>
#map = affine_map<(d0, d1) -> (0, 0)>
#map1 = affine_map<(d0, d1) -> (0, 0, 0)>
module attributes {stable_mosaic.version = 14 : i64} {
  func.func @k(%arg0: i32, %arg1: i32, %arg2: memref<163840x128xf32, #tpu.memory_space<hbm>>, %arg3: memref<1280x128xi32, #tpu.memory_space<hbm>>, %arg4: memref<10112x128xf32, #tpu.memory_space<hbm>>, %arg5: memref<2x10112x128xf32, #tpu.memory_space<hbm>>, %arg6: memref<40x128xi32, #tpu.memory_space<vmem>>, %arg7: memref<2x128x32xf32, #tpu.memory_space<vmem>>, %arg8: memref<10112x32xf32, #tpu.memory_space<vmem_shared>>, %arg9: memref<!tpu.dma_semaphore, #tpu.memory_space<semaphore_mem>>, %arg10: memref<!tpu.dma_semaphore, #tpu.memory_space<semaphore_mem>>) attributes {dimension_semantics = [#tpu.dimension_semantics<core_parallel>, #tpu.dimension_semantics<subcore_parallel>], iteration_bounds = array<i64: 2, 16>, scalar_prefetch = 0 : i64, scratch_operands = 5 : i64, tpu.core_type = #tpu.core_type<sc_vector_subcore>, window_params = [{transform_indices = #map}, {transform_indices = #map}, {transform_indices = #map}, {transform_indices = #map1}]} {
    %mul3A = arith.constant 2 : i32
    %mul3A_0 = arith.muli %arg1, %mul3A : i32
    %add3A = arith.addi %mul3A_0, %arg0 : i32
    %mul3A_1 = arith.constant 632 : i32
    %mul3A_2 = arith.muli %arg1, %mul3A_1 : i32
    "tpu.region"() ({
      %run_scoped3A = tpu.sem_alloc : memref<!tpu.dma_semaphore, #tpu.memory_space<semaphore_mem>>
      %dma_start3A_29 = arith.constant 0 : i32
      %dma_start3A_30 = tpu.memref_slice %arg8[%mul3A_2, %dma_start3A_29] : memref<10112x32xf32, #tpu.memory_space<vmem_shared>> -> memref<632x32xf32, #tpu.memory_space<vmem_shared>>
      %dma_start3A_31 = arith.constant 0 : i32
      %dma_start3A_32 = tpu.memref_slice %arg4[%mul3A_2, %dma_start3A_31] : memref<10112x128xf32, #tpu.memory_space<hbm>> -> memref<632x32xf32, #tpu.memory_space<hbm>>
      tpu.enqueue_dma source(%dma_start3A_32 : memref<632x32xf32, #tpu.memory_space<hbm>>) target(%dma_start3A_30 : memref<632x32xf32, #tpu.memory_space<vmem_shared>>) target_semaphore(%run_scoped3A : memref<!tpu.dma_semaphore, #tpu.memory_space<semaphore_mem>>)
      %dma_wait3A = arith.constant 0 : i32
      %dma_wait3A_33 = tpu.memref_slice %arg8[%mul3A_2, %dma_wait3A] : memref<10112x32xf32, #tpu.memory_space<vmem_shared>> -> memref<632x32xf32, #tpu.memory_space<vmem_shared>>
      %dma_wait3A_34 = arith.constant 0 : i32
      %dma_wait3A_35 = tpu.memref_slice %arg4[%mul3A_2, %dma_wait3A_34] : memref<10112x128xf32, #tpu.memory_space<hbm>> -> memref<632x32xf32, #tpu.memory_space<hbm>>
      tpu.wait_dma2 semaphore(%run_scoped3A : memref<!tpu.dma_semaphore, #tpu.memory_space<semaphore_mem>>) src(%dma_wait3A_35 : memref<632x32xf32, #tpu.memory_space<hbm>>) dst(%dma_wait3A_33 : memref<632x32xf32, #tpu.memory_space<vmem_shared>>)
      tpu.yield
    }) : () -> ()
    %mul3A_3 = arith.constant 40 : i32
    %mul3A_4 = arith.muli %add3A, %mul3A_3 : i32
    %add3A_5 = arith.constant 0 : i32
    %add3A_6 = arith.addi %add3A_5, %mul3A_4 : i32
    "tpu.region"() ({
      %run_scoped3A = tpu.sem_alloc : memref<!tpu.dma_semaphore, #tpu.memory_space<semaphore_mem>>
      %dma_start3A_29 = arith.constant 0 : i32
      %dma_start3A_30 = tpu.memref_slice %arg3[%add3A_6, %dma_start3A_29] : memref<1280x128xi32, #tpu.memory_space<hbm>> -> memref<40x128xi32, #tpu.memory_space<hbm>>
      %dma_start3A_31 = arith.constant 0 : i32
      %dma_start3A_32 = tpu.memref_slice %arg3[%add3A_6, %dma_start3A_31] : memref<1280x128xi32, #tpu.memory_space<hbm>> -> memref<40x128xi32, #tpu.memory_space<hbm>>
      tpu.enqueue_dma source(%dma_start3A_32 : memref<40x128xi32, #tpu.memory_space<hbm>>) target(%arg6 : memref<40x128xi32, #tpu.memory_space<vmem>>) target_semaphore(%run_scoped3A : memref<!tpu.dma_semaphore, #tpu.memory_space<semaphore_mem>>)
      %dma_wait3A = arith.constant 0 : i32
      %dma_wait3A_33 = tpu.memref_slice %arg3[%add3A_6, %dma_wait3A] : memref<1280x128xi32, #tpu.memory_space<hbm>> -> memref<40x128xi32, #tpu.memory_space<hbm>>
      %dma_wait3A_34 = arith.constant 0 : i32
      %dma_wait3A_35 = tpu.memref_slice %arg3[%add3A_6, %dma_wait3A_34] : memref<1280x128xi32, #tpu.memory_space<hbm>> -> memref<40x128xi32, #tpu.memory_space<hbm>>
      tpu.wait_dma2 semaphore(%run_scoped3A : memref<!tpu.dma_semaphore, #tpu.memory_space<semaphore_mem>>) src(%dma_wait3A_35 : memref<40x128xi32, #tpu.memory_space<hbm>>) dst(%arg6 : memref<40x128xi32, #tpu.memory_space<vmem>>)
      tpu.yield
    }) : () -> ()
    %barrier3A = arith.constant 0 : index
    tpu.barrier barrier_id(%barrier3A)
    %add3A_7 = arith.constant 0 : i32
    %add3A_8 = arith.addi %mul3A_4, %add3A_7 : i32
    %mul3A_9 = arith.constant 128 : i32
    %mul3A_10 = arith.muli %add3A_8, %mul3A_9 : i32
    %dma_start3A = arith.constant 0 : i32
    %dma_start3A_11 = arith.constant 0 : i32
    %dma_start3A_12 = arith.constant 0 : i32
    %dma_start3A_13 = tpu.memref_slice %arg7[%dma_start3A, %dma_start3A_11, %dma_start3A_12] : memref<2x128x32xf32, #tpu.memory_space<vmem>> -> memref<1x128x32xf32, #tpu.memory_space<vmem>>
    %dma_start3A_14 = tpu.memref_squeeze %dma_start3A_13 : memref<1x128x32xf32, #tpu.memory_space<vmem>> -> memref<128x32xf32, #tpu.memory_space<vmem>>
    %dma_start3A_15 = arith.constant 0 : i32
    %dma_start3A_16 = tpu.memref_slice %arg2[%mul3A_10, %dma_start3A_15] : memref<163840x128xf32, #tpu.memory_space<hbm>> -> memref<128x32xf32, #tpu.memory_space<hbm>>
    %dma_start3A_17 = arith.constant 0 : i32
    %dma_start3A_18 = arith.constant 0 : i32
    %dma_start3A_19 = tpu.memref_slice %arg7[%dma_start3A, %dma_start3A_17, %dma_start3A_18] : memref<2x128x32xf32, #tpu.memory_space<vmem>> -> memref<1x128x32xf32, #tpu.memory_space<vmem>>
    %dma_start3A_20 = tpu.memref_squeeze %dma_start3A_19 : memref<1x128x32xf32, #tpu.memory_space<vmem>> -> memref<128x32xf32, #tpu.memory_space<vmem>>
    %dma_start3A_21 = arith.constant 0 : i32
    %dma_start3A_22 = tpu.memref_slice %arg2[%mul3A_10, %dma_start3A_21] : memref<163840x128xf32, #tpu.memory_space<hbm>> -> memref<128x32xf32, #tpu.memory_space<hbm>>
    tpu.enqueue_dma source(%dma_start3A_22 : memref<128x32xf32, #tpu.memory_space<hbm>>) target(%dma_start3A_20 : memref<128x32xf32, #tpu.memory_space<vmem>>) target_semaphore(%arg9 : memref<!tpu.dma_semaphore, #tpu.memory_space<semaphore_mem>>)
    %scan3A = arith.constant 0 : i32
    %scan3A_23 = arith.constant 0 : i32
    %scan3A_24 = arith.constant 20 : i32
    %scan3A_25 = arith.addi %scan3A_23, %scan3A_24 : i32
    %scan3A_26 = arith.constant 1 : i32
    scf.for %scan3A_29 = %scan3A_23 to %scan3A_25 step %scan3A_26  : i32 {
      %mul3A_30 = arith.constant 2 : i32
      %mul3A_31 = arith.muli %mul3A_30, %scan3A_29 : i32
      %add3A_32 = arith.constant 1 : i32
      %add3A_33 = arith.addi %mul3A_31, %add3A_32 : i32
      %add3A_34 = arith.addi %mul3A_4, %add3A_33 : i32
      %mul3A_35 = arith.constant 128 : i32
      %mul3A_36 = arith.muli %add3A_34, %mul3A_35 : i32
      %dma_start3A_37 = arith.constant 1 : i32
      %dma_start3A_38 = arith.constant 0 : i32
      %dma_start3A_39 = arith.constant 0 : i32
      %dma_start3A_40 = tpu.memref_slice %arg7[%dma_start3A_37, %dma_start3A_38, %dma_start3A_39] : memref<2x128x32xf32, #tpu.memory_space<vmem>> -> memref<1x128x32xf32, #tpu.memory_space<vmem>>
      %dma_start3A_41 = tpu.memref_squeeze %dma_start3A_40 : memref<1x128x32xf32, #tpu.memory_space<vmem>> -> memref<128x32xf32, #tpu.memory_space<vmem>>
      %dma_start3A_42 = arith.constant 0 : i32
      %dma_start3A_43 = tpu.memref_slice %arg2[%mul3A_36, %dma_start3A_42] : memref<163840x128xf32, #tpu.memory_space<hbm>> -> memref<128x32xf32, #tpu.memory_space<hbm>>
      %dma_start3A_44 = arith.constant 0 : i32
      %dma_start3A_45 = arith.constant 0 : i32
      %dma_start3A_46 = tpu.memref_slice %arg7[%dma_start3A_37, %dma_start3A_44, %dma_start3A_45] : memref<2x128x32xf32, #tpu.memory_space<vmem>> -> memref<1x128x32xf32, #tpu.memory_space<vmem>>
      %dma_start3A_47 = tpu.memref_squeeze %dma_start3A_46 : memref<1x128x32xf32, #tpu.memory_space<vmem>> -> memref<128x32xf32, #tpu.memory_space<vmem>>
      %dma_start3A_48 = arith.constant 0 : i32
      %dma_start3A_49 = tpu.memref_slice %arg2[%mul3A_36, %dma_start3A_48] : memref<163840x128xf32, #tpu.memory_space<hbm>> -> memref<128x32xf32, #tpu.memory_space<hbm>>
      tpu.enqueue_dma source(%dma_start3A_49 : memref<128x32xf32, #tpu.memory_space<hbm>>) target(%dma_start3A_47 : memref<128x32xf32, #tpu.memory_space<vmem>>) target_semaphore(%arg10 : memref<!tpu.dma_semaphore, #tpu.memory_space<semaphore_mem>>)
      %add3A_50 = arith.addi %mul3A_4, %mul3A_31 : i32
      %mul3A_51 = arith.constant 128 : i32
      %mul3A_52 = arith.muli %add3A_50, %mul3A_51 : i32
      %dma_wait3A = arith.constant 0 : i32
      %dma_wait3A_53 = arith.constant 0 : i32
      %dma_wait3A_54 = arith.constant 0 : i32
      %dma_wait3A_55 = tpu.memref_slice %arg7[%dma_wait3A, %dma_wait3A_53, %dma_wait3A_54] : memref<2x128x32xf32, #tpu.memory_space<vmem>> -> memref<1x128x32xf32, #tpu.memory_space<vmem>>
      %dma_wait3A_56 = tpu.memref_squeeze %dma_wait3A_55 : memref<1x128x32xf32, #tpu.memory_space<vmem>> -> memref<128x32xf32, #tpu.memory_space<vmem>>
      %dma_wait3A_57 = arith.constant 0 : i32
      %dma_wait3A_58 = tpu.memref_slice %arg2[%mul3A_52, %dma_wait3A_57] : memref<163840x128xf32, #tpu.memory_space<hbm>> -> memref<128x32xf32, #tpu.memory_space<hbm>>
      %dma_wait3A_59 = arith.constant 0 : i32
      %dma_wait3A_60 = arith.constant 0 : i32
      %dma_wait3A_61 = tpu.memref_slice %arg7[%dma_wait3A, %dma_wait3A_59, %dma_wait3A_60] : memref<2x128x32xf32, #tpu.memory_space<vmem>> -> memref<1x128x32xf32, #tpu.memory_space<vmem>>
      %dma_wait3A_62 = tpu.memref_squeeze %dma_wait3A_61 : memref<1x128x32xf32, #tpu.memory_space<vmem>> -> memref<128x32xf32, #tpu.memory_space<vmem>>
      %dma_wait3A_63 = arith.constant 0 : i32
      %dma_wait3A_64 = tpu.memref_slice %arg2[%mul3A_52, %dma_wait3A_63] : memref<163840x128xf32, #tpu.memory_space<hbm>> -> memref<128x32xf32, #tpu.memory_space<hbm>>
      tpu.wait_dma2 semaphore(%arg9 : memref<!tpu.dma_semaphore, #tpu.memory_space<semaphore_mem>>) src(%dma_wait3A_64 : memref<128x32xf32, #tpu.memory_space<hbm>>) dst(%dma_wait3A_62 : memref<128x32xf32, #tpu.memory_space<vmem>>)
      %run_scoped3A = arith.constant 0 : i32
      "tpu.region"() ({
        %run_scoped3A_86 = tpu.sem_alloc : memref<!tpu.dma_semaphore, #tpu.memory_space<semaphore_mem>>
        %dma_start3A_87 = arith.constant 0 : i32
        %dma_start3A_88 = arith.constant 0 : i32
        %dma_start3A_89 = tpu.memref_slice %arg7[%run_scoped3A, %dma_start3A_87, %dma_start3A_88] : memref<2x128x32xf32, #tpu.memory_space<vmem>> -> memref<1x128x32xf32, #tpu.memory_space<vmem>>
        %dma_start3A_90 = tpu.memref_squeeze %dma_start3A_89 : memref<1x128x32xf32, #tpu.memory_space<vmem>> -> memref<128x32xf32, #tpu.memory_space<vmem>>
        %dma_start3A_91 = arith.constant 0 : i32
        %dma_start3A_92 = tpu.memref_slice %arg6[%mul3A_31, %dma_start3A_91] : memref<40x128xi32, #tpu.memory_space<vmem>> -> memref<1x128xi32, #tpu.memory_space<vmem>>
        %dma_start3A_93 = tpu.memref_squeeze %dma_start3A_92 : memref<1x128xi32, #tpu.memory_space<vmem>> -> memref<128xi32, #tpu.memory_space<vmem>>
        %dma_start3A_94 = arith.constant 0 : i32
        %dma_start3A_95 = arith.constant 0 : i32
        %dma_start3A_96 = tpu.memref_slice %arg8[%dma_start3A_94, %dma_start3A_95] : memref<10112x32xf32, #tpu.memory_space<vmem_shared>> -> memref<10112x32xf32, #tpu.memory_space<vmem_shared>>
        tpu.enqueue_indirect_dma source(%dma_start3A_90 : memref<128x32xf32, #tpu.memory_space<vmem>>) target(%dma_start3A_96 : memref<10112x32xf32, #tpu.memory_space<vmem_shared>>) offsets(%dma_start3A_93 : memref<128xi32, #tpu.memory_space<vmem>>) semaphore(%run_scoped3A_86 : memref<!tpu.dma_semaphore, #tpu.memory_space<semaphore_mem>>) {add = true}
        %dma_wait3A_97 = arith.constant 0 : i32
        %dma_wait3A_98 = arith.constant 0 : i32
        %dma_wait3A_99 = tpu.memref_slice %arg7[%run_scoped3A, %dma_wait3A_97, %dma_wait3A_98] : memref<2x128x32xf32, #tpu.memory_space<vmem>> -> memref<1x128x32xf32, #tpu.memory_space<vmem>>
        %dma_wait3A_100 = tpu.memref_squeeze %dma_wait3A_99 : memref<1x128x32xf32, #tpu.memory_space<vmem>> -> memref<128x32xf32, #tpu.memory_space<vmem>>
        %dma_wait3A_101 = arith.constant 0 : i32
        %dma_wait3A_102 = tpu.memref_slice %arg6[%mul3A_31, %dma_wait3A_101] : memref<40x128xi32, #tpu.memory_space<vmem>> -> memref<1x128xi32, #tpu.memory_space<vmem>>
        %dma_wait3A_103 = tpu.memref_squeeze %dma_wait3A_102 : memref<1x128xi32, #tpu.memory_space<vmem>> -> memref<128xi32, #tpu.memory_space<vmem>>
        %dma_wait3A_104 = arith.constant 0 : i32
        %dma_wait3A_105 = arith.constant 0 : i32
        %dma_wait3A_106 = tpu.memref_slice %arg8[%dma_wait3A_104, %dma_wait3A_105] : memref<10112x32xf32, #tpu.memory_space<vmem_shared>> -> memref<10112x32xf32, #tpu.memory_space<vmem_shared>>
        tpu.wait_indirect_dma semaphore(%run_scoped3A_86 : memref<!tpu.dma_semaphore, #tpu.memory_space<semaphore_mem>>) src(%dma_wait3A_100 : memref<128x32xf32, #tpu.memory_space<vmem>>) dst(%dma_wait3A_106 : memref<10112x32xf32, #tpu.memory_space<vmem_shared>>)
        tpu.yield
      }) : () -> ()
      %add3A_65 = arith.constant 2 : i32
      %add3A_66 = arith.addi %mul3A_31, %add3A_65 : i32
      %lt3A = arith.constant 40 : i32
      %lt3A_67 = arith.cmpi slt, %add3A_66, %lt3A : i32
      %convert_element_type3A = arith.extui %lt3A_67 : i1 to i32
      %cond3A = arith.constant 0 : i32
      %cond3A_68 = arith.cmpi ne, %convert_element_type3A, %cond3A : i32
      scf.if %cond3A_68 {
        %add3A_86 = arith.constant 2 : i32
        %add3A_87 = arith.addi %mul3A_31, %add3A_86 : i32
        %add3A_88 = arith.addi %mul3A_4, %add3A_87 : i32
        %mul3A_89 = arith.constant 128 : i32
        %mul3A_90 = arith.muli %add3A_88, %mul3A_89 : i32
        %dma_start3A_91 = arith.constant 0 : i32
        %dma_start3A_92 = arith.constant 0 : i32
        %dma_start3A_93 = arith.constant 0 : i32
        %dma_start3A_94 = tpu.memref_slice %arg7[%dma_start3A_91, %dma_start3A_92, %dma_start3A_93] : memref<2x128x32xf32, #tpu.memory_space<vmem>> -> memref<1x128x32xf32, #tpu.memory_space<vmem>>
        %dma_start3A_95 = tpu.memref_squeeze %dma_start3A_94 : memref<1x128x32xf32, #tpu.memory_space<vmem>> -> memref<128x32xf32, #tpu.memory_space<vmem>>
        %dma_start3A_96 = arith.constant 0 : i32
        %dma_start3A_97 = tpu.memref_slice %arg2[%mul3A_90, %dma_start3A_96] : memref<163840x128xf32, #tpu.memory_space<hbm>> -> memref<128x32xf32, #tpu.memory_space<hbm>>
        %dma_start3A_98 = arith.constant 0 : i32
        %dma_start3A_99 = arith.constant 0 : i32
        %dma_start3A_100 = tpu.memref_slice %arg7[%dma_start3A_91, %dma_start3A_98, %dma_start3A_99] : memref<2x128x32xf32, #tpu.memory_space<vmem>> -> memref<1x128x32xf32, #tpu.memory_space<vmem>>
        %dma_start3A_101 = tpu.memref_squeeze %dma_start3A_100 : memref<1x128x32xf32, #tpu.memory_space<vmem>> -> memref<128x32xf32, #tpu.memory_space<vmem>>
        %dma_start3A_102 = arith.constant 0 : i32
        %dma_start3A_103 = tpu.memref_slice %arg2[%mul3A_90, %dma_start3A_102] : memref<163840x128xf32, #tpu.memory_space<hbm>> -> memref<128x32xf32, #tpu.memory_space<hbm>>
        tpu.enqueue_dma source(%dma_start3A_103 : memref<128x32xf32, #tpu.memory_space<hbm>>) target(%dma_start3A_101 : memref<128x32xf32, #tpu.memory_space<vmem>>) target_semaphore(%arg9 : memref<!tpu.dma_semaphore, #tpu.memory_space<semaphore_mem>>)
      } else {
      }
      %add3A_69 = arith.addi %mul3A_4, %add3A_33 : i32
      %mul3A_70 = arith.constant 128 : i32
      %mul3A_71 = arith.muli %add3A_69, %mul3A_70 : i32
      %dma_wait3A_72 = arith.constant 1 : i32
      %dma_wait3A_73 = arith.constant 0 : i32
      %dma_wait3A_74 = arith.constant 0 : i32
      %dma_wait3A_75 = tpu.memref_slice %arg7[%dma_wait3A_72, %dma_wait3A_73, %dma_wait3A_74] : memref<2x128x32xf32, #tpu.memory_space<vmem>> -> memref<1x128x32xf32, #tpu.memory_space<vmem>>
      %dma_wait3A_76 = tpu.memref_squeeze %dma_wait3A_75 : memref<1x128x32xf32, #tpu.memory_space<vmem>> -> memref<128x32xf32, #tpu.memory_space<vmem>>
      %dma_wait3A_77 = arith.constant 0 : i32
      %dma_wait3A_78 = tpu.memref_slice %arg2[%mul3A_71, %dma_wait3A_77] : memref<163840x128xf32, #tpu.memory_space<hbm>> -> memref<128x32xf32, #tpu.memory_space<hbm>>
      %dma_wait3A_79 = arith.constant 0 : i32
      %dma_wait3A_80 = arith.constant 0 : i32
      %dma_wait3A_81 = tpu.memref_slice %arg7[%dma_wait3A_72, %dma_wait3A_79, %dma_wait3A_80] : memref<2x128x32xf32, #tpu.memory_space<vmem>> -> memref<1x128x32xf32, #tpu.memory_space<vmem>>
      %dma_wait3A_82 = tpu.memref_squeeze %dma_wait3A_81 : memref<1x128x32xf32, #tpu.memory_space<vmem>> -> memref<128x32xf32, #tpu.memory_space<vmem>>
      %dma_wait3A_83 = arith.constant 0 : i32
      %dma_wait3A_84 = tpu.memref_slice %arg2[%mul3A_71, %dma_wait3A_83] : memref<163840x128xf32, #tpu.memory_space<hbm>> -> memref<128x32xf32, #tpu.memory_space<hbm>>
      tpu.wait_dma2 semaphore(%arg10 : memref<!tpu.dma_semaphore, #tpu.memory_space<semaphore_mem>>) src(%dma_wait3A_84 : memref<128x32xf32, #tpu.memory_space<hbm>>) dst(%dma_wait3A_82 : memref<128x32xf32, #tpu.memory_space<vmem>>)
      %run_scoped3A_85 = arith.constant 1 : i32
      "tpu.region"() ({
        %run_scoped3A_86 = tpu.sem_alloc : memref<!tpu.dma_semaphore, #tpu.memory_space<semaphore_mem>>
        %dma_start3A_87 = arith.constant 0 : i32
        %dma_start3A_88 = arith.constant 0 : i32
        %dma_start3A_89 = tpu.memref_slice %arg7[%run_scoped3A_85, %dma_start3A_87, %dma_start3A_88] : memref<2x128x32xf32, #tpu.memory_space<vmem>> -> memref<1x128x32xf32, #tpu.memory_space<vmem>>
        %dma_start3A_90 = tpu.memref_squeeze %dma_start3A_89 : memref<1x128x32xf32, #tpu.memory_space<vmem>> -> memref<128x32xf32, #tpu.memory_space<vmem>>
        %dma_start3A_91 = arith.constant 0 : i32
        %dma_start3A_92 = tpu.memref_slice %arg6[%add3A_33, %dma_start3A_91] : memref<40x128xi32, #tpu.memory_space<vmem>> -> memref<1x128xi32, #tpu.memory_space<vmem>>
        %dma_start3A_93 = tpu.memref_squeeze %dma_start3A_92 : memref<1x128xi32, #tpu.memory_space<vmem>> -> memref<128xi32, #tpu.memory_space<vmem>>
        %dma_start3A_94 = arith.constant 0 : i32
        %dma_start3A_95 = arith.constant 0 : i32
        %dma_start3A_96 = tpu.memref_slice %arg8[%dma_start3A_94, %dma_start3A_95] : memref<10112x32xf32, #tpu.memory_space<vmem_shared>> -> memref<10112x32xf32, #tpu.memory_space<vmem_shared>>
        tpu.enqueue_indirect_dma source(%dma_start3A_90 : memref<128x32xf32, #tpu.memory_space<vmem>>) target(%dma_start3A_96 : memref<10112x32xf32, #tpu.memory_space<vmem_shared>>) offsets(%dma_start3A_93 : memref<128xi32, #tpu.memory_space<vmem>>) semaphore(%run_scoped3A_86 : memref<!tpu.dma_semaphore, #tpu.memory_space<semaphore_mem>>) {add = true}
        %dma_wait3A_97 = arith.constant 0 : i32
        %dma_wait3A_98 = arith.constant 0 : i32
        %dma_wait3A_99 = tpu.memref_slice %arg7[%run_scoped3A_85, %dma_wait3A_97, %dma_wait3A_98] : memref<2x128x32xf32, #tpu.memory_space<vmem>> -> memref<1x128x32xf32, #tpu.memory_space<vmem>>
        %dma_wait3A_100 = tpu.memref_squeeze %dma_wait3A_99 : memref<1x128x32xf32, #tpu.memory_space<vmem>> -> memref<128x32xf32, #tpu.memory_space<vmem>>
        %dma_wait3A_101 = arith.constant 0 : i32
        %dma_wait3A_102 = tpu.memref_slice %arg6[%add3A_33, %dma_wait3A_101] : memref<40x128xi32, #tpu.memory_space<vmem>> -> memref<1x128xi32, #tpu.memory_space<vmem>>
        %dma_wait3A_103 = tpu.memref_squeeze %dma_wait3A_102 : memref<1x128xi32, #tpu.memory_space<vmem>> -> memref<128xi32, #tpu.memory_space<vmem>>
        %dma_wait3A_104 = arith.constant 0 : i32
        %dma_wait3A_105 = arith.constant 0 : i32
        %dma_wait3A_106 = tpu.memref_slice %arg8[%dma_wait3A_104, %dma_wait3A_105] : memref<10112x32xf32, #tpu.memory_space<vmem_shared>> -> memref<10112x32xf32, #tpu.memory_space<vmem_shared>>
        tpu.wait_indirect_dma semaphore(%run_scoped3A_86 : memref<!tpu.dma_semaphore, #tpu.memory_space<semaphore_mem>>) src(%dma_wait3A_100 : memref<128x32xf32, #tpu.memory_space<vmem>>) dst(%dma_wait3A_106 : memref<10112x32xf32, #tpu.memory_space<vmem_shared>>)
        tpu.yield
      }) : () -> ()
    }
    %scan3A_27 = arith.constant 20 : i32
    %barrier3A_28 = arith.constant 0 : index
    tpu.barrier barrier_id(%barrier3A_28)
    "tpu.region"() ({
      %run_scoped3A = tpu.sem_alloc : memref<!tpu.dma_semaphore, #tpu.memory_space<semaphore_mem>>
      %dma_start3A_29 = arith.constant 0 : i32
      %dma_start3A_30 = tpu.memref_slice %arg5[%arg0, %mul3A_2, %dma_start3A_29] : memref<2x10112x128xf32, #tpu.memory_space<hbm>> -> memref<1x632x32xf32, #tpu.memory_space<hbm>>
      %dma_start3A_31 = tpu.memref_squeeze %dma_start3A_30 : memref<1x632x32xf32, #tpu.memory_space<hbm>> -> memref<632x32xf32, #tpu.memory_space<hbm>>
      %dma_start3A_32 = arith.constant 0 : i32
      %dma_start3A_33 = tpu.memref_slice %arg8[%mul3A_2, %dma_start3A_32] : memref<10112x32xf32, #tpu.memory_space<vmem_shared>> -> memref<632x32xf32, #tpu.memory_space<vmem_shared>>
      tpu.enqueue_dma source(%dma_start3A_33 : memref<632x32xf32, #tpu.memory_space<vmem_shared>>) target(%dma_start3A_31 : memref<632x32xf32, #tpu.memory_space<hbm>>) target_semaphore(%run_scoped3A : memref<!tpu.dma_semaphore, #tpu.memory_space<semaphore_mem>>)
      %dma_wait3A = arith.constant 0 : i32
      %dma_wait3A_34 = tpu.memref_slice %arg5[%arg0, %mul3A_2, %dma_wait3A] : memref<2x10112x128xf32, #tpu.memory_space<hbm>> -> memref<1x632x32xf32, #tpu.memory_space<hbm>>
      %dma_wait3A_35 = tpu.memref_squeeze %dma_wait3A_34 : memref<1x632x32xf32, #tpu.memory_space<hbm>> -> memref<632x32xf32, #tpu.memory_space<hbm>>
      %dma_wait3A_36 = arith.constant 0 : i32
      %dma_wait3A_37 = tpu.memref_slice %arg8[%mul3A_2, %dma_wait3A_36] : memref<10112x32xf32, #tpu.memory_space<vmem_shared>> -> memref<632x32xf32, #tpu.memory_space<vmem_shared>>
      tpu.wait_dma2 semaphore(%run_scoped3A : memref<!tpu.dma_semaphore, #tpu.memory_space<semaphore_mem>>) src(%dma_wait3A_37 : memref<632x32xf32, #tpu.memory_space<vmem_shared>>) dst(%dma_wait3A_35 : memref<632x32xf32, #tpu.memory_space<hbm>>)
      tpu.yield
    }) : () -> ()
    return
  }
}

#map = affine_map<(d0, d1) -> (0, 0)>
module attributes {stable_mosaic.version = 14 : i64} {
  func.func @k(%arg0: i32, %arg1: i32, %arg2: memref<10000x128xf32, #tpu.memory_space<hbm>>, %arg3: memref<1280x128xi32, #tpu.memory_space<hbm>>, %arg4: memref<163840x128xf32, #tpu.memory_space<hbm>>, %arg5: memref<40x128xi32, #tpu.memory_space<vmem>>, %arg6: memref<2x128x128xf32, #tpu.memory_space<vmem>>, %arg7: memref<10000x128xf32, #tpu.memory_space<vmem_shared>>, %arg8: memref<!tpu.dma_semaphore, #tpu.memory_space<semaphore_mem>>, %arg9: memref<!tpu.dma_semaphore, #tpu.memory_space<semaphore_mem>>) attributes {dimension_semantics = [#tpu.dimension_semantics<core_parallel>, #tpu.dimension_semantics<subcore_parallel>], iteration_bounds = array<i64: 2, 16>, scalar_prefetch = 0 : i64, scratch_operands = 5 : i64, tpu.core_type = #tpu.core_type<sc_vector_subcore>, window_params = [{transform_indices = #map}, {transform_indices = #map}, {transform_indices = #map}]} {
    %mul3A = arith.constant 2 : i32
    %mul3A_0 = arith.muli %arg1, %mul3A : i32
    %add3A = arith.addi %mul3A_0, %arg0 : i32
    %mul3A_1 = arith.constant 624 : i32
    %mul3A_2 = arith.muli %arg1, %mul3A_1 : i32
    "tpu.region"() ({
      %run_scoped3A = tpu.sem_alloc : memref<!tpu.dma_semaphore, #tpu.memory_space<semaphore_mem>>
      %dma_start3A_25 = arith.constant 0 : i32
      %dma_start3A_26 = tpu.memref_slice %arg7[%mul3A_2, %dma_start3A_25] : memref<10000x128xf32, #tpu.memory_space<vmem_shared>> -> memref<624x128xf32, #tpu.memory_space<vmem_shared>>
      %dma_start3A_27 = arith.constant 0 : i32
      %dma_start3A_28 = tpu.memref_slice %arg2[%mul3A_2, %dma_start3A_27] : memref<10000x128xf32, #tpu.memory_space<hbm>> -> memref<624x128xf32, #tpu.memory_space<hbm>>
      tpu.enqueue_dma source(%dma_start3A_28 : memref<624x128xf32, #tpu.memory_space<hbm>>) target(%dma_start3A_26 : memref<624x128xf32, #tpu.memory_space<vmem_shared>>) target_semaphore(%run_scoped3A : memref<!tpu.dma_semaphore, #tpu.memory_space<semaphore_mem>>)
      %dma_wait3A = arith.constant 0 : i32
      %dma_wait3A_29 = tpu.memref_slice %arg7[%mul3A_2, %dma_wait3A] : memref<10000x128xf32, #tpu.memory_space<vmem_shared>> -> memref<624x128xf32, #tpu.memory_space<vmem_shared>>
      %dma_wait3A_30 = arith.constant 0 : i32
      %dma_wait3A_31 = tpu.memref_slice %arg2[%mul3A_2, %dma_wait3A_30] : memref<10000x128xf32, #tpu.memory_space<hbm>> -> memref<624x128xf32, #tpu.memory_space<hbm>>
      tpu.wait_dma2 semaphore(%run_scoped3A : memref<!tpu.dma_semaphore, #tpu.memory_space<semaphore_mem>>) src(%dma_wait3A_31 : memref<624x128xf32, #tpu.memory_space<hbm>>) dst(%dma_wait3A_29 : memref<624x128xf32, #tpu.memory_space<vmem_shared>>)
      tpu.yield
    }) : () -> ()
    %eq3A = arith.constant 15 : i32
    %eq3A_3 = arith.cmpi eq, %arg1, %eq3A : i32
    %convert_element_type3A = arith.extui %eq3A_3 : i1 to i32
    %cond3A = arith.constant 0 : i32
    %cond3A_4 = arith.cmpi ne, %convert_element_type3A, %cond3A : i32
    scf.if %cond3A_4 {
      "tpu.region"() ({
        %run_scoped3A = tpu.sem_alloc : memref<!tpu.dma_semaphore, #tpu.memory_space<semaphore_mem>>
        %dma_start3A_25 = arith.constant 9984 : i32
        %dma_start3A_26 = arith.constant 0 : i32
        %dma_start3A_27 = tpu.memref_slice %arg7[%dma_start3A_25, %dma_start3A_26] : memref<10000x128xf32, #tpu.memory_space<vmem_shared>> -> memref<16x128xf32, #tpu.memory_space<vmem_shared>>
        %dma_start3A_28 = arith.constant 9984 : i32
        %dma_start3A_29 = arith.constant 0 : i32
        %dma_start3A_30 = tpu.memref_slice %arg2[%dma_start3A_28, %dma_start3A_29] : memref<10000x128xf32, #tpu.memory_space<hbm>> -> memref<16x128xf32, #tpu.memory_space<hbm>>
        tpu.enqueue_dma source(%dma_start3A_30 : memref<16x128xf32, #tpu.memory_space<hbm>>) target(%dma_start3A_27 : memref<16x128xf32, #tpu.memory_space<vmem_shared>>) target_semaphore(%run_scoped3A : memref<!tpu.dma_semaphore, #tpu.memory_space<semaphore_mem>>)
        %dma_wait3A = arith.constant 9984 : i32
        %dma_wait3A_31 = arith.constant 0 : i32
        %dma_wait3A_32 = tpu.memref_slice %arg7[%dma_wait3A, %dma_wait3A_31] : memref<10000x128xf32, #tpu.memory_space<vmem_shared>> -> memref<16x128xf32, #tpu.memory_space<vmem_shared>>
        %dma_wait3A_33 = arith.constant 9984 : i32
        %dma_wait3A_34 = arith.constant 0 : i32
        %dma_wait3A_35 = tpu.memref_slice %arg2[%dma_wait3A_33, %dma_wait3A_34] : memref<10000x128xf32, #tpu.memory_space<hbm>> -> memref<16x128xf32, #tpu.memory_space<hbm>>
        tpu.wait_dma2 semaphore(%run_scoped3A : memref<!tpu.dma_semaphore, #tpu.memory_space<semaphore_mem>>) src(%dma_wait3A_35 : memref<16x128xf32, #tpu.memory_space<hbm>>) dst(%dma_wait3A_32 : memref<16x128xf32, #tpu.memory_space<vmem_shared>>)
        tpu.yield
      }) : () -> ()
    } else {
    }
    %mul3A_5 = arith.constant 40 : i32
    %mul3A_6 = arith.muli %add3A, %mul3A_5 : i32
    %add3A_7 = arith.constant 0 : i32
    %add3A_8 = arith.addi %add3A_7, %mul3A_6 : i32
    "tpu.region"() ({
      %run_scoped3A = tpu.sem_alloc : memref<!tpu.dma_semaphore, #tpu.memory_space<semaphore_mem>>
      %dma_start3A_25 = arith.constant 0 : i32
      %dma_start3A_26 = tpu.memref_slice %arg3[%add3A_8, %dma_start3A_25] : memref<1280x128xi32, #tpu.memory_space<hbm>> -> memref<40x128xi32, #tpu.memory_space<hbm>>
      %dma_start3A_27 = arith.constant 0 : i32
      %dma_start3A_28 = tpu.memref_slice %arg3[%add3A_8, %dma_start3A_27] : memref<1280x128xi32, #tpu.memory_space<hbm>> -> memref<40x128xi32, #tpu.memory_space<hbm>>
      tpu.enqueue_dma source(%dma_start3A_28 : memref<40x128xi32, #tpu.memory_space<hbm>>) target(%arg5 : memref<40x128xi32, #tpu.memory_space<vmem>>) target_semaphore(%run_scoped3A : memref<!tpu.dma_semaphore, #tpu.memory_space<semaphore_mem>>)
      %dma_wait3A = arith.constant 0 : i32
      %dma_wait3A_29 = tpu.memref_slice %arg3[%add3A_8, %dma_wait3A] : memref<1280x128xi32, #tpu.memory_space<hbm>> -> memref<40x128xi32, #tpu.memory_space<hbm>>
      %dma_wait3A_30 = arith.constant 0 : i32
      %dma_wait3A_31 = tpu.memref_slice %arg3[%add3A_8, %dma_wait3A_30] : memref<1280x128xi32, #tpu.memory_space<hbm>> -> memref<40x128xi32, #tpu.memory_space<hbm>>
      tpu.wait_dma2 semaphore(%run_scoped3A : memref<!tpu.dma_semaphore, #tpu.memory_space<semaphore_mem>>) src(%dma_wait3A_31 : memref<40x128xi32, #tpu.memory_space<hbm>>) dst(%arg5 : memref<40x128xi32, #tpu.memory_space<vmem>>)
      tpu.yield
    }) : () -> ()
    %barrier3A = arith.constant 0 : index
    tpu.barrier barrier_id(%barrier3A)
    %dma_start3A = arith.constant 0 : i32
    %dma_start3A_9 = arith.constant 0 : i32
    %dma_start3A_10 = arith.constant 0 : i32
    %dma_start3A_11 = arith.constant 0 : i32
    %dma_start3A_12 = tpu.memref_slice %arg6[%dma_start3A_9, %dma_start3A_10, %dma_start3A_11] : memref<2x128x128xf32, #tpu.memory_space<vmem>> -> memref<1x128x128xf32, #tpu.memory_space<vmem>>
    %dma_start3A_13 = tpu.memref_squeeze %dma_start3A_12 : memref<1x128x128xf32, #tpu.memory_space<vmem>> -> memref<128x128xf32, #tpu.memory_space<vmem>>
    %dma_start3A_14 = arith.constant 0 : i32
    %dma_start3A_15 = tpu.memref_slice %arg5[%dma_start3A, %dma_start3A_14] : memref<40x128xi32, #tpu.memory_space<vmem>> -> memref<1x128xi32, #tpu.memory_space<vmem>>
    %dma_start3A_16 = tpu.memref_squeeze %dma_start3A_15 : memref<1x128xi32, #tpu.memory_space<vmem>> -> memref<128xi32, #tpu.memory_space<vmem>>
    %dma_start3A_17 = arith.constant 0 : i32
    %dma_start3A_18 = arith.constant 0 : i32
    %dma_start3A_19 = tpu.memref_slice %arg7[%dma_start3A_17, %dma_start3A_18] : memref<10000x128xf32, #tpu.memory_space<vmem_shared>> -> memref<10000x128xf32, #tpu.memory_space<vmem_shared>>
    tpu.enqueue_indirect_dma source(%dma_start3A_19 : memref<10000x128xf32, #tpu.memory_space<vmem_shared>>) target(%dma_start3A_13 : memref<128x128xf32, #tpu.memory_space<vmem>>) offsets(%dma_start3A_16 : memref<128xi32, #tpu.memory_space<vmem>>) semaphore(%arg8 : memref<!tpu.dma_semaphore, #tpu.memory_space<semaphore_mem>>)
    %scan3A = arith.constant 0 : i32
    %scan3A_20 = arith.constant 0 : i32
    %scan3A_21 = arith.constant 20 : i32
    %scan3A_22 = arith.addi %scan3A_20, %scan3A_21 : i32
    %scan3A_23 = arith.constant 1 : i32
    scf.for %scan3A_25 = %scan3A_20 to %scan3A_22 step %scan3A_23  : i32 {
      %mul3A_26 = arith.constant 2 : i32
      %mul3A_27 = arith.muli %mul3A_26, %scan3A_25 : i32
      %add3A_28 = arith.constant 1 : i32
      %add3A_29 = arith.addi %mul3A_27, %add3A_28 : i32
      %dma_start3A_30 = arith.constant 1 : i32
      %dma_start3A_31 = arith.constant 0 : i32
      %dma_start3A_32 = arith.constant 0 : i32
      %dma_start3A_33 = tpu.memref_slice %arg6[%dma_start3A_30, %dma_start3A_31, %dma_start3A_32] : memref<2x128x128xf32, #tpu.memory_space<vmem>> -> memref<1x128x128xf32, #tpu.memory_space<vmem>>
      %dma_start3A_34 = tpu.memref_squeeze %dma_start3A_33 : memref<1x128x128xf32, #tpu.memory_space<vmem>> -> memref<128x128xf32, #tpu.memory_space<vmem>>
      %dma_start3A_35 = arith.constant 0 : i32
      %dma_start3A_36 = tpu.memref_slice %arg5[%add3A_29, %dma_start3A_35] : memref<40x128xi32, #tpu.memory_space<vmem>> -> memref<1x128xi32, #tpu.memory_space<vmem>>
      %dma_start3A_37 = tpu.memref_squeeze %dma_start3A_36 : memref<1x128xi32, #tpu.memory_space<vmem>> -> memref<128xi32, #tpu.memory_space<vmem>>
      %dma_start3A_38 = arith.constant 0 : i32
      %dma_start3A_39 = arith.constant 0 : i32
      %dma_start3A_40 = tpu.memref_slice %arg7[%dma_start3A_38, %dma_start3A_39] : memref<10000x128xf32, #tpu.memory_space<vmem_shared>> -> memref<10000x128xf32, #tpu.memory_space<vmem_shared>>
      tpu.enqueue_indirect_dma source(%dma_start3A_40 : memref<10000x128xf32, #tpu.memory_space<vmem_shared>>) target(%dma_start3A_34 : memref<128x128xf32, #tpu.memory_space<vmem>>) offsets(%dma_start3A_37 : memref<128xi32, #tpu.memory_space<vmem>>) semaphore(%arg9 : memref<!tpu.dma_semaphore, #tpu.memory_space<semaphore_mem>>)
      %dma_wait3A = arith.constant 0 : i32
      %dma_wait3A_41 = arith.constant 0 : i32
      %dma_wait3A_42 = arith.constant 0 : i32
      %dma_wait3A_43 = tpu.memref_slice %arg6[%dma_wait3A, %dma_wait3A_41, %dma_wait3A_42] : memref<2x128x128xf32, #tpu.memory_space<vmem>> -> memref<1x128x128xf32, #tpu.memory_space<vmem>>
      %dma_wait3A_44 = tpu.memref_squeeze %dma_wait3A_43 : memref<1x128x128xf32, #tpu.memory_space<vmem>> -> memref<128x128xf32, #tpu.memory_space<vmem>>
      %dma_wait3A_45 = arith.constant 0 : i32
      %dma_wait3A_46 = tpu.memref_slice %arg5[%mul3A_27, %dma_wait3A_45] : memref<40x128xi32, #tpu.memory_space<vmem>> -> memref<1x128xi32, #tpu.memory_space<vmem>>
      %dma_wait3A_47 = tpu.memref_squeeze %dma_wait3A_46 : memref<1x128xi32, #tpu.memory_space<vmem>> -> memref<128xi32, #tpu.memory_space<vmem>>
      %dma_wait3A_48 = arith.constant 0 : i32
      %dma_wait3A_49 = arith.constant 0 : i32
      %dma_wait3A_50 = tpu.memref_slice %arg7[%dma_wait3A_48, %dma_wait3A_49] : memref<10000x128xf32, #tpu.memory_space<vmem_shared>> -> memref<10000x128xf32, #tpu.memory_space<vmem_shared>>
      tpu.wait_indirect_dma semaphore(%arg8 : memref<!tpu.dma_semaphore, #tpu.memory_space<semaphore_mem>>) src(%dma_wait3A_50 : memref<10000x128xf32, #tpu.memory_space<vmem_shared>>) dst(%dma_wait3A_44 : memref<128x128xf32, #tpu.memory_space<vmem>>)
      %add3A_51 = arith.addi %mul3A_6, %mul3A_27 : i32
      %mul3A_52 = arith.constant 128 : i32
      %mul3A_53 = arith.muli %add3A_51, %mul3A_52 : i32
      %run_scoped3A = arith.constant 0 : i32
      "tpu.region"() ({
        %run_scoped3A_75 = tpu.sem_alloc : memref<!tpu.dma_semaphore, #tpu.memory_space<semaphore_mem>>
        %dma_start3A_76 = arith.constant 0 : i32
        %dma_start3A_77 = arith.constant 0 : i32
        %dma_start3A_78 = tpu.memref_slice %arg6[%run_scoped3A, %dma_start3A_76, %dma_start3A_77] : memref<2x128x128xf32, #tpu.memory_space<vmem>> -> memref<1x128x128xf32, #tpu.memory_space<vmem>>
        %dma_start3A_79 = tpu.memref_squeeze %dma_start3A_78 : memref<1x128x128xf32, #tpu.memory_space<vmem>> -> memref<128x128xf32, #tpu.memory_space<vmem>>
        %dma_start3A_80 = arith.constant 0 : i32
        %dma_start3A_81 = tpu.memref_slice %arg4[%mul3A_53, %dma_start3A_80] : memref<163840x128xf32, #tpu.memory_space<hbm>> -> memref<128x128xf32, #tpu.memory_space<hbm>>
        %dma_start3A_82 = arith.constant 0 : i32
        %dma_start3A_83 = tpu.memref_slice %arg4[%mul3A_53, %dma_start3A_82] : memref<163840x128xf32, #tpu.memory_space<hbm>> -> memref<128x128xf32, #tpu.memory_space<hbm>>
        %dma_start3A_84 = arith.constant 0 : i32
        %dma_start3A_85 = arith.constant 0 : i32
        %dma_start3A_86 = tpu.memref_slice %arg6[%run_scoped3A, %dma_start3A_84, %dma_start3A_85] : memref<2x128x128xf32, #tpu.memory_space<vmem>> -> memref<1x128x128xf32, #tpu.memory_space<vmem>>
        %dma_start3A_87 = tpu.memref_squeeze %dma_start3A_86 : memref<1x128x128xf32, #tpu.memory_space<vmem>> -> memref<128x128xf32, #tpu.memory_space<vmem>>
        tpu.enqueue_dma source(%dma_start3A_87 : memref<128x128xf32, #tpu.memory_space<vmem>>) target(%dma_start3A_83 : memref<128x128xf32, #tpu.memory_space<hbm>>) target_semaphore(%run_scoped3A_75 : memref<!tpu.dma_semaphore, #tpu.memory_space<semaphore_mem>>)
        %dma_wait3A_88 = arith.constant 0 : i32
        %dma_wait3A_89 = arith.constant 0 : i32
        %dma_wait3A_90 = tpu.memref_slice %arg6[%run_scoped3A, %dma_wait3A_88, %dma_wait3A_89] : memref<2x128x128xf32, #tpu.memory_space<vmem>> -> memref<1x128x128xf32, #tpu.memory_space<vmem>>
        %dma_wait3A_91 = tpu.memref_squeeze %dma_wait3A_90 : memref<1x128x128xf32, #tpu.memory_space<vmem>> -> memref<128x128xf32, #tpu.memory_space<vmem>>
        %dma_wait3A_92 = arith.constant 0 : i32
        %dma_wait3A_93 = tpu.memref_slice %arg4[%mul3A_53, %dma_wait3A_92] : memref<163840x128xf32, #tpu.memory_space<hbm>> -> memref<128x128xf32, #tpu.memory_space<hbm>>
        %dma_wait3A_94 = arith.constant 0 : i32
        %dma_wait3A_95 = tpu.memref_slice %arg4[%mul3A_53, %dma_wait3A_94] : memref<163840x128xf32, #tpu.memory_space<hbm>> -> memref<128x128xf32, #tpu.memory_space<hbm>>
        %dma_wait3A_96 = arith.constant 0 : i32
        %dma_wait3A_97 = arith.constant 0 : i32
        %dma_wait3A_98 = tpu.memref_slice %arg6[%run_scoped3A, %dma_wait3A_96, %dma_wait3A_97] : memref<2x128x128xf32, #tpu.memory_space<vmem>> -> memref<1x128x128xf32, #tpu.memory_space<vmem>>
        %dma_wait3A_99 = tpu.memref_squeeze %dma_wait3A_98 : memref<1x128x128xf32, #tpu.memory_space<vmem>> -> memref<128x128xf32, #tpu.memory_space<vmem>>
        tpu.wait_dma2 semaphore(%run_scoped3A_75 : memref<!tpu.dma_semaphore, #tpu.memory_space<semaphore_mem>>) src(%dma_wait3A_99 : memref<128x128xf32, #tpu.memory_space<vmem>>) dst(%dma_wait3A_95 : memref<128x128xf32, #tpu.memory_space<hbm>>)
        tpu.yield
      }) : () -> ()
      %add3A_54 = arith.constant 2 : i32
      %add3A_55 = arith.addi %mul3A_27, %add3A_54 : i32
      %lt3A = arith.constant 40 : i32
      %lt3A_56 = arith.cmpi slt, %add3A_55, %lt3A : i32
      %convert_element_type3A_57 = arith.extui %lt3A_56 : i1 to i32
      %cond3A_58 = arith.constant 0 : i32
      %cond3A_59 = arith.cmpi ne, %convert_element_type3A_57, %cond3A_58 : i32
      scf.if %cond3A_59 {
        %add3A_75 = arith.constant 2 : i32
        %add3A_76 = arith.addi %mul3A_27, %add3A_75 : i32
        %dma_start3A_77 = arith.constant 0 : i32
        %dma_start3A_78 = arith.constant 0 : i32
        %dma_start3A_79 = arith.constant 0 : i32
        %dma_start3A_80 = tpu.memref_slice %arg6[%dma_start3A_77, %dma_start3A_78, %dma_start3A_79] : memref<2x128x128xf32, #tpu.memory_space<vmem>> -> memref<1x128x128xf32, #tpu.memory_space<vmem>>
        %dma_start3A_81 = tpu.memref_squeeze %dma_start3A_80 : memref<1x128x128xf32, #tpu.memory_space<vmem>> -> memref<128x128xf32, #tpu.memory_space<vmem>>
        %dma_start3A_82 = arith.constant 0 : i32
        %dma_start3A_83 = tpu.memref_slice %arg5[%add3A_76, %dma_start3A_82] : memref<40x128xi32, #tpu.memory_space<vmem>> -> memref<1x128xi32, #tpu.memory_space<vmem>>
        %dma_start3A_84 = tpu.memref_squeeze %dma_start3A_83 : memref<1x128xi32, #tpu.memory_space<vmem>> -> memref<128xi32, #tpu.memory_space<vmem>>
        %dma_start3A_85 = arith.constant 0 : i32
        %dma_start3A_86 = arith.constant 0 : i32
        %dma_start3A_87 = tpu.memref_slice %arg7[%dma_start3A_85, %dma_start3A_86] : memref<10000x128xf32, #tpu.memory_space<vmem_shared>> -> memref<10000x128xf32, #tpu.memory_space<vmem_shared>>
        tpu.enqueue_indirect_dma source(%dma_start3A_87 : memref<10000x128xf32, #tpu.memory_space<vmem_shared>>) target(%dma_start3A_81 : memref<128x128xf32, #tpu.memory_space<vmem>>) offsets(%dma_start3A_84 : memref<128xi32, #tpu.memory_space<vmem>>) semaphore(%arg8 : memref<!tpu.dma_semaphore, #tpu.memory_space<semaphore_mem>>)
      } else {
      }
      %dma_wait3A_60 = arith.constant 1 : i32
      %dma_wait3A_61 = arith.constant 0 : i32
      %dma_wait3A_62 = arith.constant 0 : i32
      %dma_wait3A_63 = tpu.memref_slice %arg6[%dma_wait3A_60, %dma_wait3A_61, %dma_wait3A_62] : memref<2x128x128xf32, #tpu.memory_space<vmem>> -> memref<1x128x128xf32, #tpu.memory_space<vmem>>
      %dma_wait3A_64 = tpu.memref_squeeze %dma_wait3A_63 : memref<1x128x128xf32, #tpu.memory_space<vmem>> -> memref<128x128xf32, #tpu.memory_space<vmem>>
      %dma_wait3A_65 = arith.constant 0 : i32
      %dma_wait3A_66 = tpu.memref_slice %arg5[%add3A_29, %dma_wait3A_65] : memref<40x128xi32, #tpu.memory_space<vmem>> -> memref<1x128xi32, #tpu.memory_space<vmem>>
      %dma_wait3A_67 = tpu.memref_squeeze %dma_wait3A_66 : memref<1x128xi32, #tpu.memory_space<vmem>> -> memref<128xi32, #tpu.memory_space<vmem>>
      %dma_wait3A_68 = arith.constant 0 : i32
      %dma_wait3A_69 = arith.constant 0 : i32
      %dma_wait3A_70 = tpu.memref_slice %arg7[%dma_wait3A_68, %dma_wait3A_69] : memref<10000x128xf32, #tpu.memory_space<vmem_shared>> -> memref<10000x128xf32, #tpu.memory_space<vmem_shared>>
      tpu.wait_indirect_dma semaphore(%arg9 : memref<!tpu.dma_semaphore, #tpu.memory_space<semaphore_mem>>) src(%dma_wait3A_70 : memref<10000x128xf32, #tpu.memory_space<vmem_shared>>) dst(%dma_wait3A_64 : memref<128x128xf32, #tpu.memory_space<vmem>>)
      %add3A_71 = arith.addi %mul3A_6, %add3A_29 : i32
      %mul3A_72 = arith.constant 128 : i32
      %mul3A_73 = arith.muli %add3A_71, %mul3A_72 : i32
      %run_scoped3A_74 = arith.constant 1 : i32
      "tpu.region"() ({
        %run_scoped3A_75 = tpu.sem_alloc : memref<!tpu.dma_semaphore, #tpu.memory_space<semaphore_mem>>
        %dma_start3A_76 = arith.constant 0 : i32
        %dma_start3A_77 = arith.constant 0 : i32
        %dma_start3A_78 = tpu.memref_slice %arg6[%run_scoped3A_74, %dma_start3A_76, %dma_start3A_77] : memref<2x128x128xf32, #tpu.memory_space<vmem>> -> memref<1x128x128xf32, #tpu.memory_space<vmem>>
        %dma_start3A_79 = tpu.memref_squeeze %dma_start3A_78 : memref<1x128x128xf32, #tpu.memory_space<vmem>> -> memref<128x128xf32, #tpu.memory_space<vmem>>
        %dma_start3A_80 = arith.constant 0 : i32
        %dma_start3A_81 = tpu.memref_slice %arg4[%mul3A_73, %dma_start3A_80] : memref<163840x128xf32, #tpu.memory_space<hbm>> -> memref<128x128xf32, #tpu.memory_space<hbm>>
        %dma_start3A_82 = arith.constant 0 : i32
        %dma_start3A_83 = tpu.memref_slice %arg4[%mul3A_73, %dma_start3A_82] : memref<163840x128xf32, #tpu.memory_space<hbm>> -> memref<128x128xf32, #tpu.memory_space<hbm>>
        %dma_start3A_84 = arith.constant 0 : i32
        %dma_start3A_85 = arith.constant 0 : i32
        %dma_start3A_86 = tpu.memref_slice %arg6[%run_scoped3A_74, %dma_start3A_84, %dma_start3A_85] : memref<2x128x128xf32, #tpu.memory_space<vmem>> -> memref<1x128x128xf32, #tpu.memory_space<vmem>>
        %dma_start3A_87 = tpu.memref_squeeze %dma_start3A_86 : memref<1x128x128xf32, #tpu.memory_space<vmem>> -> memref<128x128xf32, #tpu.memory_space<vmem>>
        tpu.enqueue_dma source(%dma_start3A_87 : memref<128x128xf32, #tpu.memory_space<vmem>>) target(%dma_start3A_83 : memref<128x128xf32, #tpu.memory_space<hbm>>) target_semaphore(%run_scoped3A_75 : memref<!tpu.dma_semaphore, #tpu.memory_space<semaphore_mem>>)
        %dma_wait3A_88 = arith.constant 0 : i32
        %dma_wait3A_89 = arith.constant 0 : i32
        %dma_wait3A_90 = tpu.memref_slice %arg6[%run_scoped3A_74, %dma_wait3A_88, %dma_wait3A_89] : memref<2x128x128xf32, #tpu.memory_space<vmem>> -> memref<1x128x128xf32, #tpu.memory_space<vmem>>
        %dma_wait3A_91 = tpu.memref_squeeze %dma_wait3A_90 : memref<1x128x128xf32, #tpu.memory_space<vmem>> -> memref<128x128xf32, #tpu.memory_space<vmem>>
        %dma_wait3A_92 = arith.constant 0 : i32
        %dma_wait3A_93 = tpu.memref_slice %arg4[%mul3A_73, %dma_wait3A_92] : memref<163840x128xf32, #tpu.memory_space<hbm>> -> memref<128x128xf32, #tpu.memory_space<hbm>>
        %dma_wait3A_94 = arith.constant 0 : i32
        %dma_wait3A_95 = tpu.memref_slice %arg4[%mul3A_73, %dma_wait3A_94] : memref<163840x128xf32, #tpu.memory_space<hbm>> -> memref<128x128xf32, #tpu.memory_space<hbm>>
        %dma_wait3A_96 = arith.constant 0 : i32
        %dma_wait3A_97 = arith.constant 0 : i32
        %dma_wait3A_98 = tpu.memref_slice %arg6[%run_scoped3A_74, %dma_wait3A_96, %dma_wait3A_97] : memref<2x128x128xf32, #tpu.memory_space<vmem>> -> memref<1x128x128xf32, #tpu.memory_space<vmem>>
        %dma_wait3A_99 = tpu.memref_squeeze %dma_wait3A_98 : memref<1x128x128xf32, #tpu.memory_space<vmem>> -> memref<128x128xf32, #tpu.memory_space<vmem>>
        tpu.wait_dma2 semaphore(%run_scoped3A_75 : memref<!tpu.dma_semaphore, #tpu.memory_space<semaphore_mem>>) src(%dma_wait3A_99 : memref<128x128xf32, #tpu.memory_space<vmem>>) dst(%dma_wait3A_95 : memref<128x128xf32, #tpu.memory_space<hbm>>)
        tpu.yield
      }) : () -> ()
    }
    %scan3A_24 = arith.constant 20 : i32
    return
  }
}

#map = affine_map<(d0, d1) -> (0, 0)>
module attributes {stable_mosaic.version = 14 : i64} {
  func.func @kn(%arg0: i32, %arg1: i32, %arg2: memref<10000x128xf32, #tpu.memory_space<hbm>>, %arg3: memref<1280x128xi32, #tpu.memory_space<hbm>>, %arg4: memref<163840x128xf32, #tpu.memory_space<hbm>>, %arg5: memref<40x128xi32, #tpu.memory_space<vmem>>, %arg6: memref<5120x16xf32, #tpu.memory_space<vmem>>, %arg7: memref<10000x16xf32, #tpu.memory_space<vmem_shared>>, %arg8: memref<!tpu.dma_semaphore, #tpu.memory_space<semaphore_mem>>) attributes {dimension_semantics = [#tpu.dimension_semantics<core_parallel>, #tpu.dimension_semantics<subcore_parallel>], iteration_bounds = array<i64: 2, 16>, scalar_prefetch = 0 : i64, scratch_operands = 4 : i64, tpu.core_type = #tpu.core_type<sc_vector_subcore>, window_params = [{transform_indices = #map}, {transform_indices = #map}, {transform_indices = #map}]} {
    %mul3A = arith.constant 2 : i32
    %mul3A_0 = arith.muli %arg1, %mul3A : i32
    %add3A = arith.addi %mul3A_0, %arg0 : i32
    %mul3A_1 = arith.constant 624 : i32
    %mul3A_2 = arith.muli %arg1, %mul3A_1 : i32
    "tpu.region"() ({
      %run_scoped3A = tpu.sem_alloc : memref<!tpu.dma_semaphore, #tpu.memory_space<semaphore_mem>>
      %dma_start3A = arith.constant 0 : i32
      %dma_start3A_22 = tpu.memref_slice %arg7[%mul3A_2, %dma_start3A] : memref<10000x16xf32, #tpu.memory_space<vmem_shared>> -> memref<624x16xf32, #tpu.memory_space<vmem_shared>>
      %dma_start3A_23 = arith.constant 0 : i32
      %dma_start3A_24 = tpu.memref_slice %arg2[%mul3A_2, %dma_start3A_23] : memref<10000x128xf32, #tpu.memory_space<hbm>> -> memref<624x16xf32, #tpu.memory_space<hbm>>
      tpu.enqueue_dma source(%dma_start3A_24 : memref<624x16xf32, #tpu.memory_space<hbm>>) target(%dma_start3A_22 : memref<624x16xf32, #tpu.memory_space<vmem_shared>>) target_semaphore(%run_scoped3A : memref<!tpu.dma_semaphore, #tpu.memory_space<semaphore_mem>>)
      %dma_wait3A = arith.constant 0 : i32
      %dma_wait3A_25 = tpu.memref_slice %arg7[%mul3A_2, %dma_wait3A] : memref<10000x16xf32, #tpu.memory_space<vmem_shared>> -> memref<624x16xf32, #tpu.memory_space<vmem_shared>>
      %dma_wait3A_26 = arith.constant 0 : i32
      %dma_wait3A_27 = tpu.memref_slice %arg2[%mul3A_2, %dma_wait3A_26] : memref<10000x128xf32, #tpu.memory_space<hbm>> -> memref<624x16xf32, #tpu.memory_space<hbm>>
      tpu.wait_dma2 semaphore(%run_scoped3A : memref<!tpu.dma_semaphore, #tpu.memory_space<semaphore_mem>>) src(%dma_wait3A_27 : memref<624x16xf32, #tpu.memory_space<hbm>>) dst(%dma_wait3A_25 : memref<624x16xf32, #tpu.memory_space<vmem_shared>>)
      tpu.yield
    }) : () -> ()
    %eq3A = arith.constant 15 : i32
    %eq3A_3 = arith.cmpi eq, %arg1, %eq3A : i32
    %convert_element_type3A = arith.extui %eq3A_3 : i1 to i32
    %cond3A = arith.constant 0 : i32
    %cond3A_4 = arith.cmpi ne, %convert_element_type3A, %cond3A : i32
    scf.if %cond3A_4 {
      "tpu.region"() ({
        %run_scoped3A = tpu.sem_alloc : memref<!tpu.dma_semaphore, #tpu.memory_space<semaphore_mem>>
        %dma_start3A = arith.constant 9984 : i32
        %dma_start3A_22 = arith.constant 0 : i32
        %dma_start3A_23 = tpu.memref_slice %arg7[%dma_start3A, %dma_start3A_22] : memref<10000x16xf32, #tpu.memory_space<vmem_shared>> -> memref<16x16xf32, #tpu.memory_space<vmem_shared>>
        %dma_start3A_24 = arith.constant 9984 : i32
        %dma_start3A_25 = arith.constant 0 : i32
        %dma_start3A_26 = tpu.memref_slice %arg2[%dma_start3A_24, %dma_start3A_25] : memref<10000x128xf32, #tpu.memory_space<hbm>> -> memref<16x16xf32, #tpu.memory_space<hbm>>
        tpu.enqueue_dma source(%dma_start3A_26 : memref<16x16xf32, #tpu.memory_space<hbm>>) target(%dma_start3A_23 : memref<16x16xf32, #tpu.memory_space<vmem_shared>>) target_semaphore(%run_scoped3A : memref<!tpu.dma_semaphore, #tpu.memory_space<semaphore_mem>>)
        %dma_wait3A = arith.constant 9984 : i32
        %dma_wait3A_27 = arith.constant 0 : i32
        %dma_wait3A_28 = tpu.memref_slice %arg7[%dma_wait3A, %dma_wait3A_27] : memref<10000x16xf32, #tpu.memory_space<vmem_shared>> -> memref<16x16xf32, #tpu.memory_space<vmem_shared>>
        %dma_wait3A_29 = arith.constant 9984 : i32
        %dma_wait3A_30 = arith.constant 0 : i32
        %dma_wait3A_31 = tpu.memref_slice %arg2[%dma_wait3A_29, %dma_wait3A_30] : memref<10000x128xf32, #tpu.memory_space<hbm>> -> memref<16x16xf32, #tpu.memory_space<hbm>>
        tpu.wait_dma2 semaphore(%run_scoped3A : memref<!tpu.dma_semaphore, #tpu.memory_space<semaphore_mem>>) src(%dma_wait3A_31 : memref<16x16xf32, #tpu.memory_space<hbm>>) dst(%dma_wait3A_28 : memref<16x16xf32, #tpu.memory_space<vmem_shared>>)
        tpu.yield
      }) : () -> ()
    } else {
    }
    %mul3A_5 = arith.constant 40 : i32
    %mul3A_6 = arith.muli %add3A, %mul3A_5 : i32
    %add3A_7 = arith.constant 0 : i32
    %add3A_8 = arith.addi %add3A_7, %mul3A_6 : i32
    "tpu.region"() ({
      %run_scoped3A = tpu.sem_alloc : memref<!tpu.dma_semaphore, #tpu.memory_space<semaphore_mem>>
      %dma_start3A = arith.constant 0 : i32
      %dma_start3A_22 = tpu.memref_slice %arg3[%add3A_8, %dma_start3A] : memref<1280x128xi32, #tpu.memory_space<hbm>> -> memref<40x128xi32, #tpu.memory_space<hbm>>
      %dma_start3A_23 = arith.constant 0 : i32
      %dma_start3A_24 = tpu.memref_slice %arg3[%add3A_8, %dma_start3A_23] : memref<1280x128xi32, #tpu.memory_space<hbm>> -> memref<40x128xi32, #tpu.memory_space<hbm>>
      tpu.enqueue_dma source(%dma_start3A_24 : memref<40x128xi32, #tpu.memory_space<hbm>>) target(%arg5 : memref<40x128xi32, #tpu.memory_space<vmem>>) target_semaphore(%run_scoped3A : memref<!tpu.dma_semaphore, #tpu.memory_space<semaphore_mem>>)
      %dma_wait3A = arith.constant 0 : i32
      %dma_wait3A_25 = tpu.memref_slice %arg3[%add3A_8, %dma_wait3A] : memref<1280x128xi32, #tpu.memory_space<hbm>> -> memref<40x128xi32, #tpu.memory_space<hbm>>
      %dma_wait3A_26 = arith.constant 0 : i32
      %dma_wait3A_27 = tpu.memref_slice %arg3[%add3A_8, %dma_wait3A_26] : memref<1280x128xi32, #tpu.memory_space<hbm>> -> memref<40x128xi32, #tpu.memory_space<hbm>>
      tpu.wait_dma2 semaphore(%run_scoped3A : memref<!tpu.dma_semaphore, #tpu.memory_space<semaphore_mem>>) src(%dma_wait3A_27 : memref<40x128xi32, #tpu.memory_space<hbm>>) dst(%arg5 : memref<40x128xi32, #tpu.memory_space<vmem>>)
      tpu.yield
    }) : () -> ()
    %barrier3A = arith.constant 0 : index
    tpu.barrier barrier_id(%barrier3A)
    %scan3A = arith.constant 0 : i32
    %scan3A_9 = arith.constant 0 : i32
    %scan3A_10 = arith.constant 40 : i32
    %scan3A_11 = arith.addi %scan3A_9, %scan3A_10 : i32
    %scan3A_12 = arith.constant 1 : i32
    scf.for %scan3A_22 = %scan3A_9 to %scan3A_11 step %scan3A_12  : i32 {
      %mul3A_23 = arith.constant 128 : i32
      %mul3A_24 = arith.muli %scan3A_22, %mul3A_23 : i32
      %dma_start3A = arith.constant 0 : i32
      %dma_start3A_25 = tpu.memref_slice %arg6[%mul3A_24, %dma_start3A] : memref<5120x16xf32, #tpu.memory_space<vmem>> -> memref<128x16xf32, #tpu.memory_space<vmem>>
      %dma_start3A_26 = arith.constant 0 : i32
      %dma_start3A_27 = tpu.memref_slice %arg5[%scan3A_22, %dma_start3A_26] : memref<40x128xi32, #tpu.memory_space<vmem>> -> memref<1x128xi32, #tpu.memory_space<vmem>>
      %dma_start3A_28 = tpu.memref_squeeze %dma_start3A_27 : memref<1x128xi32, #tpu.memory_space<vmem>> -> memref<128xi32, #tpu.memory_space<vmem>>
      %dma_start3A_29 = arith.constant 0 : i32
      %dma_start3A_30 = arith.constant 0 : i32
      %dma_start3A_31 = tpu.memref_slice %arg7[%dma_start3A_29, %dma_start3A_30] : memref<10000x16xf32, #tpu.memory_space<vmem_shared>> -> memref<10000x16xf32, #tpu.memory_space<vmem_shared>>
      tpu.enqueue_indirect_dma source(%dma_start3A_31 : memref<10000x16xf32, #tpu.memory_space<vmem_shared>>) target(%dma_start3A_25 : memref<128x16xf32, #tpu.memory_space<vmem>>) offsets(%dma_start3A_28 : memref<128xi32, #tpu.memory_space<vmem>>) semaphore(%arg8 : memref<!tpu.dma_semaphore, #tpu.memory_space<semaphore_mem>>)
    }
    %scan3A_13 = arith.constant 40 : i32
    %scan3A_14 = arith.constant 0 : i32
    %scan3A_15 = arith.constant 0 : i32
    %scan3A_16 = arith.constant 40 : i32
    %scan3A_17 = arith.addi %scan3A_15, %scan3A_16 : i32
    %scan3A_18 = arith.constant 1 : i32
    scf.for %scan3A_22 = %scan3A_15 to %scan3A_17 step %scan3A_18  : i32 {
      %mul3A_23 = arith.constant 128 : i32
      %mul3A_24 = arith.muli %scan3A_22, %mul3A_23 : i32
      %dma_wait3A = arith.constant 0 : i32
      %dma_wait3A_25 = tpu.memref_slice %arg6[%mul3A_24, %dma_wait3A] : memref<5120x16xf32, #tpu.memory_space<vmem>> -> memref<128x16xf32, #tpu.memory_space<vmem>>
      %dma_wait3A_26 = arith.constant 0 : i32
      %dma_wait3A_27 = tpu.memref_slice %arg5[%scan3A_22, %dma_wait3A_26] : memref<40x128xi32, #tpu.memory_space<vmem>> -> memref<1x128xi32, #tpu.memory_space<vmem>>
      %dma_wait3A_28 = tpu.memref_squeeze %dma_wait3A_27 : memref<1x128xi32, #tpu.memory_space<vmem>> -> memref<128xi32, #tpu.memory_space<vmem>>
      %dma_wait3A_29 = arith.constant 0 : i32
      %dma_wait3A_30 = arith.constant 0 : i32
      %dma_wait3A_31 = tpu.memref_slice %arg7[%dma_wait3A_29, %dma_wait3A_30] : memref<10000x16xf32, #tpu.memory_space<vmem_shared>> -> memref<10000x16xf32, #tpu.memory_space<vmem_shared>>
      tpu.wait_indirect_dma semaphore(%arg8 : memref<!tpu.dma_semaphore, #tpu.memory_space<semaphore_mem>>) src(%dma_wait3A_31 : memref<10000x16xf32, #tpu.memory_space<vmem_shared>>) dst(%dma_wait3A_25 : memref<128x16xf32, #tpu.memory_space<vmem>>)
    }
    %scan3A_19 = arith.constant 40 : i32
    %mul3A_20 = arith.constant 128 : i32
    %mul3A_21 = arith.muli %mul3A_6, %mul3A_20 : i32
    "tpu.region"() ({
      %run_scoped3A = tpu.sem_alloc : memref<!tpu.dma_semaphore, #tpu.memory_space<semaphore_mem>>
      %dma_start3A = arith.constant 0 : i32
      %dma_start3A_22 = tpu.memref_slice %arg4[%mul3A_21, %dma_start3A] : memref<163840x128xf32, #tpu.memory_space<hbm>> -> memref<5120x16xf32, #tpu.memory_space<hbm>>
      %dma_start3A_23 = arith.constant 0 : i32
      %dma_start3A_24 = tpu.memref_slice %arg4[%mul3A_21, %dma_start3A_23] : memref<163840x128xf32, #tpu.memory_space<hbm>> -> memref<5120x16xf32, #tpu.memory_space<hbm>>
      tpu.enqueue_dma source(%arg6 : memref<5120x16xf32, #tpu.memory_space<vmem>>) target(%dma_start3A_24 : memref<5120x16xf32, #tpu.memory_space<hbm>>) target_semaphore(%run_scoped3A : memref<!tpu.dma_semaphore, #tpu.memory_space<semaphore_mem>>)
      %dma_wait3A = arith.constant 0 : i32
      %dma_wait3A_25 = tpu.memref_slice %arg4[%mul3A_21, %dma_wait3A] : memref<163840x128xf32, #tpu.memory_space<hbm>> -> memref<5120x16xf32, #tpu.memory_space<hbm>>
      %dma_wait3A_26 = arith.constant 0 : i32
      %dma_wait3A_27 = tpu.memref_slice %arg4[%mul3A_21, %dma_wait3A_26] : memref<163840x128xf32, #tpu.memory_space<hbm>> -> memref<5120x16xf32, #tpu.memory_space<hbm>>
      tpu.wait_dma2 semaphore(%run_scoped3A : memref<!tpu.dma_semaphore, #tpu.memory_space<semaphore_mem>>) src(%arg6 : memref<5120x16xf32, #tpu.memory_space<vmem>>) dst(%dma_wait3A_27 : memref<5120x16xf32, #tpu.memory_space<hbm>>)
      tpu.yield
    }) : () -> ()
    return
  }
}

#map = affine_map<(d0, d1) -> (0, 0)>
#map1 = affine_map<(d0, d1) -> (0, 0, 0)>
module attributes {stable_mosaic.version = 14 : i64} {
  func.func @k(%arg0: i32, %arg1: i32, %arg2: memref<163840x128xf32, #tpu.memory_space<hbm>>, %arg3: memref<1280x128xi32, #tpu.memory_space<hbm>>, %arg4: memref<10112x128xf32, #tpu.memory_space<hbm>>, %arg5: memref<2x10112x128xf32, #tpu.memory_space<hbm>>, %arg6: memref<40x128xi32, #tpu.memory_space<vmem>>, %arg7: memref<2x128x32xf32, #tpu.memory_space<vmem>>, %arg8: memref<10112x32xf32, #tpu.memory_space<vmem_shared>>, %arg9: memref<!tpu.dma_semaphore, #tpu.memory_space<semaphore_mem>>, %arg10: memref<!tpu.dma_semaphore, #tpu.memory_space<semaphore_mem>>) attributes {dimension_semantics = [#tpu.dimension_semantics<core_parallel>, #tpu.dimension_semantics<subcore_parallel>], iteration_bounds = array<i64: 2, 16>, scalar_prefetch = 0 : i64, scratch_operands = 5 : i64, tpu.core_type = #tpu.core_type<sc_vector_subcore>, window_params = [{transform_indices = #map}, {transform_indices = #map}, {transform_indices = #map}, {transform_indices = #map1}]} {
    %mul3A = arith.constant 2 : i32
    %mul3A_0 = arith.muli %arg1, %mul3A : i32
    %add3A = arith.addi %mul3A_0, %arg0 : i32
    %mul3A_1 = arith.constant 632 : i32
    %mul3A_2 = arith.muli %arg1, %mul3A_1 : i32
    "tpu.region"() ({
      %run_scoped3A = tpu.sem_alloc : memref<!tpu.dma_semaphore, #tpu.memory_space<semaphore_mem>>
      %dma_start3A_29 = arith.constant 0 : i32
      %dma_start3A_30 = tpu.memref_slice %arg8[%mul3A_2, %dma_start3A_29] : memref<10112x32xf32, #tpu.memory_space<vmem_shared>> -> memref<632x32xf32, #tpu.memory_space<vmem_shared>>
      %dma_start3A_31 = arith.constant 0 : i32
      %dma_start3A_32 = tpu.memref_slice %arg4[%mul3A_2, %dma_start3A_31] : memref<10112x128xf32, #tpu.memory_space<hbm>> -> memref<632x32xf32, #tpu.memory_space<hbm>>
      tpu.enqueue_dma source(%dma_start3A_32 : memref<632x32xf32, #tpu.memory_space<hbm>>) target(%dma_start3A_30 : memref<632x32xf32, #tpu.memory_space<vmem_shared>>) target_semaphore(%run_scoped3A : memref<!tpu.dma_semaphore, #tpu.memory_space<semaphore_mem>>)
      %dma_wait3A = arith.constant 0 : i32
      %dma_wait3A_33 = tpu.memref_slice %arg8[%mul3A_2, %dma_wait3A] : memref<10112x32xf32, #tpu.memory_space<vmem_shared>> -> memref<632x32xf32, #tpu.memory_space<vmem_shared>>
      %dma_wait3A_34 = arith.constant 0 : i32
      %dma_wait3A_35 = tpu.memref_slice %arg4[%mul3A_2, %dma_wait3A_34] : memref<10112x128xf32, #tpu.memory_space<hbm>> -> memref<632x32xf32, #tpu.memory_space<hbm>>
      tpu.wait_dma2 semaphore(%run_scoped3A : memref<!tpu.dma_semaphore, #tpu.memory_space<semaphore_mem>>) src(%dma_wait3A_35 : memref<632x32xf32, #tpu.memory_space<hbm>>) dst(%dma_wait3A_33 : memref<632x32xf32, #tpu.memory_space<vmem_shared>>)
      tpu.yield
    }) : () -> ()
    %mul3A_3 = arith.constant 40 : i32
    %mul3A_4 = arith.muli %add3A, %mul3A_3 : i32
    %add3A_5 = arith.constant 0 : i32
    %add3A_6 = arith.addi %add3A_5, %mul3A_4 : i32
    "tpu.region"() ({
      %run_scoped3A = tpu.sem_alloc : memref<!tpu.dma_semaphore, #tpu.memory_space<semaphore_mem>>
      %dma_start3A_29 = arith.constant 0 : i32
      %dma_start3A_30 = tpu.memref_slice %arg3[%add3A_6, %dma_start3A_29] : memref<1280x128xi32, #tpu.memory_space<hbm>> -> memref<40x128xi32, #tpu.memory_space<hbm>>
      %dma_start3A_31 = arith.constant 0 : i32
      %dma_start3A_32 = tpu.memref_slice %arg3[%add3A_6, %dma_start3A_31] : memref<1280x128xi32, #tpu.memory_space<hbm>> -> memref<40x128xi32, #tpu.memory_space<hbm>>
      tpu.enqueue_dma source(%dma_start3A_32 : memref<40x128xi32, #tpu.memory_space<hbm>>) target(%arg6 : memref<40x128xi32, #tpu.memory_space<vmem>>) target_semaphore(%run_scoped3A : memref<!tpu.dma_semaphore, #tpu.memory_space<semaphore_mem>>)
      %dma_wait3A = arith.constant 0 : i32
      %dma_wait3A_33 = tpu.memref_slice %arg3[%add3A_6, %dma_wait3A] : memref<1280x128xi32, #tpu.memory_space<hbm>> -> memref<40x128xi32, #tpu.memory_space<hbm>>
      %dma_wait3A_34 = arith.constant 0 : i32
      %dma_wait3A_35 = tpu.memref_slice %arg3[%add3A_6, %dma_wait3A_34] : memref<1280x128xi32, #tpu.memory_space<hbm>> -> memref<40x128xi32, #tpu.memory_space<hbm>>
      tpu.wait_dma2 semaphore(%run_scoped3A : memref<!tpu.dma_semaphore, #tpu.memory_space<semaphore_mem>>) src(%dma_wait3A_35 : memref<40x128xi32, #tpu.memory_space<hbm>>) dst(%arg6 : memref<40x128xi32, #tpu.memory_space<vmem>>)
      tpu.yield
    }) : () -> ()
    %barrier3A = arith.constant 0 : index
    tpu.barrier barrier_id(%barrier3A)
    %add3A_7 = arith.constant 0 : i32
    %add3A_8 = arith.addi %mul3A_4, %add3A_7 : i32
    %mul3A_9 = arith.constant 128 : i32
    %mul3A_10 = arith.muli %add3A_8, %mul3A_9 : i32
    %dma_start3A = arith.constant 0 : i32
    %dma_start3A_11 = arith.constant 0 : i32
    %dma_start3A_12 = arith.constant 0 : i32
    %dma_start3A_13 = tpu.memref_slice %arg7[%dma_start3A, %dma_start3A_11, %dma_start3A_12] : memref<2x128x32xf32, #tpu.memory_space<vmem>> -> memref<1x128x32xf32, #tpu.memory_space<vmem>>
    %dma_start3A_14 = tpu.memref_squeeze %dma_start3A_13 : memref<1x128x32xf32, #tpu.memory_space<vmem>> -> memref<128x32xf32, #tpu.memory_space<vmem>>
    %dma_start3A_15 = arith.constant 0 : i32
    %dma_start3A_16 = tpu.memref_slice %arg2[%mul3A_10, %dma_start3A_15] : memref<163840x128xf32, #tpu.memory_space<hbm>> -> memref<128x32xf32, #tpu.memory_space<hbm>>
    %dma_start3A_17 = arith.constant 0 : i32
    %dma_start3A_18 = arith.constant 0 : i32
    %dma_start3A_19 = tpu.memref_slice %arg7[%dma_start3A, %dma_start3A_17, %dma_start3A_18] : memref<2x128x32xf32, #tpu.memory_space<vmem>> -> memref<1x128x32xf32, #tpu.memory_space<vmem>>
    %dma_start3A_20 = tpu.memref_squeeze %dma_start3A_19 : memref<1x128x32xf32, #tpu.memory_space<vmem>> -> memref<128x32xf32, #tpu.memory_space<vmem>>
    %dma_start3A_21 = arith.constant 0 : i32
    %dma_start3A_22 = tpu.memref_slice %arg2[%mul3A_10, %dma_start3A_21] : memref<163840x128xf32, #tpu.memory_space<hbm>> -> memref<128x32xf32, #tpu.memory_space<hbm>>
    tpu.enqueue_dma source(%dma_start3A_22 : memref<128x32xf32, #tpu.memory_space<hbm>>) target(%dma_start3A_20 : memref<128x32xf32, #tpu.memory_space<vmem>>) target_semaphore(%arg9 : memref<!tpu.dma_semaphore, #tpu.memory_space<semaphore_mem>>)
    %scan3A = arith.constant 0 : i32
    %scan3A_23 = arith.constant 0 : i32
    %scan3A_24 = arith.constant 20 : i32
    %scan3A_25 = arith.addi %scan3A_23, %scan3A_24 : i32
    %scan3A_26 = arith.constant 1 : i32
    scf.for %scan3A_29 = %scan3A_23 to %scan3A_25 step %scan3A_26  : i32 {
      %mul3A_30 = arith.constant 2 : i32
      %mul3A_31 = arith.muli %mul3A_30, %scan3A_29 : i32
      %add3A_32 = arith.constant 1 : i32
      %add3A_33 = arith.addi %mul3A_31, %add3A_32 : i32
      %add3A_34 = arith.addi %mul3A_4, %add3A_33 : i32
      %mul3A_35 = arith.constant 128 : i32
      %mul3A_36 = arith.muli %add3A_34, %mul3A_35 : i32
      %dma_start3A_37 = arith.constant 1 : i32
      %dma_start3A_38 = arith.constant 0 : i32
      %dma_start3A_39 = arith.constant 0 : i32
      %dma_start3A_40 = tpu.memref_slice %arg7[%dma_start3A_37, %dma_start3A_38, %dma_start3A_39] : memref<2x128x32xf32, #tpu.memory_space<vmem>> -> memref<1x128x32xf32, #tpu.memory_space<vmem>>
      %dma_start3A_41 = tpu.memref_squeeze %dma_start3A_40 : memref<1x128x32xf32, #tpu.memory_space<vmem>> -> memref<128x32xf32, #tpu.memory_space<vmem>>
      %dma_start3A_42 = arith.constant 0 : i32
      %dma_start3A_43 = tpu.memref_slice %arg2[%mul3A_36, %dma_start3A_42] : memref<163840x128xf32, #tpu.memory_space<hbm>> -> memref<128x32xf32, #tpu.memory_space<hbm>>
      %dma_start3A_44 = arith.constant 0 : i32
      %dma_start3A_45 = arith.constant 0 : i32
      %dma_start3A_46 = tpu.memref_slice %arg7[%dma_start3A_37, %dma_start3A_44, %dma_start3A_45] : memref<2x128x32xf32, #tpu.memory_space<vmem>> -> memref<1x128x32xf32, #tpu.memory_space<vmem>>
      %dma_start3A_47 = tpu.memref_squeeze %dma_start3A_46 : memref<1x128x32xf32, #tpu.memory_space<vmem>> -> memref<128x32xf32, #tpu.memory_space<vmem>>
      %dma_start3A_48 = arith.constant 0 : i32
      %dma_start3A_49 = tpu.memref_slice %arg2[%mul3A_36, %dma_start3A_48] : memref<163840x128xf32, #tpu.memory_space<hbm>> -> memref<128x32xf32, #tpu.memory_space<hbm>>
      tpu.enqueue_dma source(%dma_start3A_49 : memref<128x32xf32, #tpu.memory_space<hbm>>) target(%dma_start3A_47 : memref<128x32xf32, #tpu.memory_space<vmem>>) target_semaphore(%arg10 : memref<!tpu.dma_semaphore, #tpu.memory_space<semaphore_mem>>)
      %add3A_50 = arith.addi %mul3A_4, %mul3A_31 : i32
      %mul3A_51 = arith.constant 128 : i32
      %mul3A_52 = arith.muli %add3A_50, %mul3A_51 : i32
      %dma_wait3A = arith.constant 0 : i32
      %dma_wait3A_53 = arith.constant 0 : i32
      %dma_wait3A_54 = arith.constant 0 : i32
      %dma_wait3A_55 = tpu.memref_slice %arg7[%dma_wait3A, %dma_wait3A_53, %dma_wait3A_54] : memref<2x128x32xf32, #tpu.memory_space<vmem>> -> memref<1x128x32xf32, #tpu.memory_space<vmem>>
      %dma_wait3A_56 = tpu.memref_squeeze %dma_wait3A_55 : memref<1x128x32xf32, #tpu.memory_space<vmem>> -> memref<128x32xf32, #tpu.memory_space<vmem>>
      %dma_wait3A_57 = arith.constant 0 : i32
      %dma_wait3A_58 = tpu.memref_slice %arg2[%mul3A_52, %dma_wait3A_57] : memref<163840x128xf32, #tpu.memory_space<hbm>> -> memref<128x32xf32, #tpu.memory_space<hbm>>
      %dma_wait3A_59 = arith.constant 0 : i32
      %dma_wait3A_60 = arith.constant 0 : i32
      %dma_wait3A_61 = tpu.memref_slice %arg7[%dma_wait3A, %dma_wait3A_59, %dma_wait3A_60] : memref<2x128x32xf32, #tpu.memory_space<vmem>> -> memref<1x128x32xf32, #tpu.memory_space<vmem>>
      %dma_wait3A_62 = tpu.memref_squeeze %dma_wait3A_61 : memref<1x128x32xf32, #tpu.memory_space<vmem>> -> memref<128x32xf32, #tpu.memory_space<vmem>>
      %dma_wait3A_63 = arith.constant 0 : i32
      %dma_wait3A_64 = tpu.memref_slice %arg2[%mul3A_52, %dma_wait3A_63] : memref<163840x128xf32, #tpu.memory_space<hbm>> -> memref<128x32xf32, #tpu.memory_space<hbm>>
      tpu.wait_dma2 semaphore(%arg9 : memref<!tpu.dma_semaphore, #tpu.memory_space<semaphore_mem>>) src(%dma_wait3A_64 : memref<128x32xf32, #tpu.memory_space<hbm>>) dst(%dma_wait3A_62 : memref<128x32xf32, #tpu.memory_space<vmem>>)
      %run_scoped3A = arith.constant 0 : i32
      "tpu.region"() ({
        %run_scoped3A_86 = tpu.sem_alloc : memref<!tpu.dma_semaphore, #tpu.memory_space<semaphore_mem>>
        %dma_start3A_87 = arith.constant 0 : i32
        %dma_start3A_88 = arith.constant 0 : i32
        %dma_start3A_89 = tpu.memref_slice %arg7[%run_scoped3A, %dma_start3A_87, %dma_start3A_88] : memref<2x128x32xf32, #tpu.memory_space<vmem>> -> memref<1x128x32xf32, #tpu.memory_space<vmem>>
        %dma_start3A_90 = tpu.memref_squeeze %dma_start3A_89 : memref<1x128x32xf32, #tpu.memory_space<vmem>> -> memref<128x32xf32, #tpu.memory_space<vmem>>
        %dma_start3A_91 = arith.constant 0 : i32
        %dma_start3A_92 = tpu.memref_slice %arg6[%mul3A_31, %dma_start3A_91] : memref<40x128xi32, #tpu.memory_space<vmem>> -> memref<1x128xi32, #tpu.memory_space<vmem>>
        %dma_start3A_93 = tpu.memref_squeeze %dma_start3A_92 : memref<1x128xi32, #tpu.memory_space<vmem>> -> memref<128xi32, #tpu.memory_space<vmem>>
        %dma_start3A_94 = arith.constant 0 : i32
        %dma_start3A_95 = arith.constant 0 : i32
        %dma_start3A_96 = tpu.memref_slice %arg8[%dma_start3A_94, %dma_start3A_95] : memref<10112x32xf32, #tpu.memory_space<vmem_shared>> -> memref<10112x32xf32, #tpu.memory_space<vmem_shared>>
        tpu.enqueue_indirect_dma source(%dma_start3A_90 : memref<128x32xf32, #tpu.memory_space<vmem>>) target(%dma_start3A_96 : memref<10112x32xf32, #tpu.memory_space<vmem_shared>>) offsets(%dma_start3A_93 : memref<128xi32, #tpu.memory_space<vmem>>) semaphore(%run_scoped3A_86 : memref<!tpu.dma_semaphore, #tpu.memory_space<semaphore_mem>>) {add = true}
        %dma_wait3A_97 = arith.constant 0 : i32
        %dma_wait3A_98 = arith.constant 0 : i32
        %dma_wait3A_99 = tpu.memref_slice %arg7[%run_scoped3A, %dma_wait3A_97, %dma_wait3A_98] : memref<2x128x32xf32, #tpu.memory_space<vmem>> -> memref<1x128x32xf32, #tpu.memory_space<vmem>>
        %dma_wait3A_100 = tpu.memref_squeeze %dma_wait3A_99 : memref<1x128x32xf32, #tpu.memory_space<vmem>> -> memref<128x32xf32, #tpu.memory_space<vmem>>
        %dma_wait3A_101 = arith.constant 0 : i32
        %dma_wait3A_102 = tpu.memref_slice %arg6[%mul3A_31, %dma_wait3A_101] : memref<40x128xi32, #tpu.memory_space<vmem>> -> memref<1x128xi32, #tpu.memory_space<vmem>>
        %dma_wait3A_103 = tpu.memref_squeeze %dma_wait3A_102 : memref<1x128xi32, #tpu.memory_space<vmem>> -> memref<128xi32, #tpu.memory_space<vmem>>
        %dma_wait3A_104 = arith.constant 0 : i32
        %dma_wait3A_105 = arith.constant 0 : i32
        %dma_wait3A_106 = tpu.memref_slice %arg8[%dma_wait3A_104, %dma_wait3A_105] : memref<10112x32xf32, #tpu.memory_space<vmem_shared>> -> memref<10112x32xf32, #tpu.memory_space<vmem_shared>>
        tpu.wait_indirect_dma semaphore(%run_scoped3A_86 : memref<!tpu.dma_semaphore, #tpu.memory_space<semaphore_mem>>) src(%dma_wait3A_100 : memref<128x32xf32, #tpu.memory_space<vmem>>) dst(%dma_wait3A_106 : memref<10112x32xf32, #tpu.memory_space<vmem_shared>>)
        tpu.yield
      }) : () -> ()
      %add3A_65 = arith.constant 2 : i32
      %add3A_66 = arith.addi %mul3A_31, %add3A_65 : i32
      %lt3A = arith.constant 40 : i32
      %lt3A_67 = arith.cmpi slt, %add3A_66, %lt3A : i32
      %convert_element_type3A = arith.extui %lt3A_67 : i1 to i32
      %cond3A = arith.constant 0 : i32
      %cond3A_68 = arith.cmpi ne, %convert_element_type3A, %cond3A : i32
      scf.if %cond3A_68 {
        %add3A_86 = arith.constant 2 : i32
        %add3A_87 = arith.addi %mul3A_31, %add3A_86 : i32
        %add3A_88 = arith.addi %mul3A_4, %add3A_87 : i32
        %mul3A_89 = arith.constant 128 : i32
        %mul3A_90 = arith.muli %add3A_88, %mul3A_89 : i32
        %dma_start3A_91 = arith.constant 0 : i32
        %dma_start3A_92 = arith.constant 0 : i32
        %dma_start3A_93 = arith.constant 0 : i32
        %dma_start3A_94 = tpu.memref_slice %arg7[%dma_start3A_91, %dma_start3A_92, %dma_start3A_93] : memref<2x128x32xf32, #tpu.memory_space<vmem>> -> memref<1x128x32xf32, #tpu.memory_space<vmem>>
        %dma_start3A_95 = tpu.memref_squeeze %dma_start3A_94 : memref<1x128x32xf32, #tpu.memory_space<vmem>> -> memref<128x32xf32, #tpu.memory_space<vmem>>
        %dma_start3A_96 = arith.constant 0 : i32
        %dma_start3A_97 = tpu.memref_slice %arg2[%mul3A_90, %dma_start3A_96] : memref<163840x128xf32, #tpu.memory_space<hbm>> -> memref<128x32xf32, #tpu.memory_space<hbm>>
        %dma_start3A_98 = arith.constant 0 : i32
        %dma_start3A_99 = arith.constant 0 : i32
        %dma_start3A_100 = tpu.memref_slice %arg7[%dma_start3A_91, %dma_start3A_98, %dma_start3A_99] : memref<2x128x32xf32, #tpu.memory_space<vmem>> -> memref<1x128x32xf32, #tpu.memory_space<vmem>>
        %dma_start3A_101 = tpu.memref_squeeze %dma_start3A_100 : memref<1x128x32xf32, #tpu.memory_space<vmem>> -> memref<128x32xf32, #tpu.memory_space<vmem>>
        %dma_start3A_102 = arith.constant 0 : i32
        %dma_start3A_103 = tpu.memref_slice %arg2[%mul3A_90, %dma_start3A_102] : memref<163840x128xf32, #tpu.memory_space<hbm>> -> memref<128x32xf32, #tpu.memory_space<hbm>>
        tpu.enqueue_dma source(%dma_start3A_103 : memref<128x32xf32, #tpu.memory_space<hbm>>) target(%dma_start3A_101 : memref<128x32xf32, #tpu.memory_space<vmem>>) target_semaphore(%arg9 : memref<!tpu.dma_semaphore, #tpu.memory_space<semaphore_mem>>)
      } else {
      }
      %add3A_69 = arith.addi %mul3A_4, %add3A_33 : i32
      %mul3A_70 = arith.constant 128 : i32
      %mul3A_71 = arith.muli %add3A_69, %mul3A_70 : i32
      %dma_wait3A_72 = arith.constant 1 : i32
      %dma_wait3A_73 = arith.constant 0 : i32
      %dma_wait3A_74 = arith.constant 0 : i32
      %dma_wait3A_75 = tpu.memref_slice %arg7[%dma_wait3A_72, %dma_wait3A_73, %dma_wait3A_74] : memref<2x128x32xf32, #tpu.memory_space<vmem>> -> memref<1x128x32xf32, #tpu.memory_space<vmem>>
      %dma_wait3A_76 = tpu.memref_squeeze %dma_wait3A_75 : memref<1x128x32xf32, #tpu.memory_space<vmem>> -> memref<128x32xf32, #tpu.memory_space<vmem>>
      %dma_wait3A_77 = arith.constant 0 : i32
      %dma_wait3A_78 = tpu.memref_slice %arg2[%mul3A_71, %dma_wait3A_77] : memref<163840x128xf32, #tpu.memory_space<hbm>> -> memref<128x32xf32, #tpu.memory_space<hbm>>
      %dma_wait3A_79 = arith.constant 0 : i32
      %dma_wait3A_80 = arith.constant 0 : i32
      %dma_wait3A_81 = tpu.memref_slice %arg7[%dma_wait3A_72, %dma_wait3A_79, %dma_wait3A_80] : memref<2x128x32xf32, #tpu.memory_space<vmem>> -> memref<1x128x32xf32, #tpu.memory_space<vmem>>
      %dma_wait3A_82 = tpu.memref_squeeze %dma_wait3A_81 : memref<1x128x32xf32, #tpu.memory_space<vmem>> -> memref<128x32xf32, #tpu.memory_space<vmem>>
      %dma_wait3A_83 = arith.constant 0 : i32
      %dma_wait3A_84 = tpu.memref_slice %arg2[%mul3A_71, %dma_wait3A_83] : memref<163840x128xf32, #tpu.memory_space<hbm>> -> memref<128x32xf32, #tpu.memory_space<hbm>>
      tpu.wait_dma2 semaphore(%arg10 : memref<!tpu.dma_semaphore, #tpu.memory_space<semaphore_mem>>) src(%dma_wait3A_84 : memref<128x32xf32, #tpu.memory_space<hbm>>) dst(%dma_wait3A_82 : memref<128x32xf32, #tpu.memory_space<vmem>>)
      %run_scoped3A_85 = arith.constant 1 : i32
      "tpu.region"() ({
        %run_scoped3A_86 = tpu.sem_alloc : memref<!tpu.dma_semaphore, #tpu.memory_space<semaphore_mem>>
        %dma_start3A_87 = arith.constant 0 : i32
        %dma_start3A_88 = arith.constant 0 : i32
        %dma_start3A_89 = tpu.memref_slice %arg7[%run_scoped3A_85, %dma_start3A_87, %dma_start3A_88] : memref<2x128x32xf32, #tpu.memory_space<vmem>> -> memref<1x128x32xf32, #tpu.memory_space<vmem>>
        %dma_start3A_90 = tpu.memref_squeeze %dma_start3A_89 : memref<1x128x32xf32, #tpu.memory_space<vmem>> -> memref<128x32xf32, #tpu.memory_space<vmem>>
        %dma_start3A_91 = arith.constant 0 : i32
        %dma_start3A_92 = tpu.memref_slice %arg6[%add3A_33, %dma_start3A_91] : memref<40x128xi32, #tpu.memory_space<vmem>> -> memref<1x128xi32, #tpu.memory_space<vmem>>
        %dma_start3A_93 = tpu.memref_squeeze %dma_start3A_92 : memref<1x128xi32, #tpu.memory_space<vmem>> -> memref<128xi32, #tpu.memory_space<vmem>>
        %dma_start3A_94 = arith.constant 0 : i32
        %dma_start3A_95 = arith.constant 0 : i32
        %dma_start3A_96 = tpu.memref_slice %arg8[%dma_start3A_94, %dma_start3A_95] : memref<10112x32xf32, #tpu.memory_space<vmem_shared>> -> memref<10112x32xf32, #tpu.memory_space<vmem_shared>>
        tpu.enqueue_indirect_dma source(%dma_start3A_90 : memref<128x32xf32, #tpu.memory_space<vmem>>) target(%dma_start3A_96 : memref<10112x32xf32, #tpu.memory_space<vmem_shared>>) offsets(%dma_start3A_93 : memref<128xi32, #tpu.memory_space<vmem>>) semaphore(%run_scoped3A_86 : memref<!tpu.dma_semaphore, #tpu.memory_space<semaphore_mem>>) {add = true}
        %dma_wait3A_97 = arith.constant 0 : i32
        %dma_wait3A_98 = arith.constant 0 : i32
        %dma_wait3A_99 = tpu.memref_slice %arg7[%run_scoped3A_85, %dma_wait3A_97, %dma_wait3A_98] : memref<2x128x32xf32, #tpu.memory_space<vmem>> -> memref<1x128x32xf32, #tpu.memory_space<vmem>>
        %dma_wait3A_100 = tpu.memref_squeeze %dma_wait3A_99 : memref<1x128x32xf32, #tpu.memory_space<vmem>> -> memref<128x32xf32, #tpu.memory_space<vmem>>
        %dma_wait3A_101 = arith.constant 0 : i32
        %dma_wait3A_102 = tpu.memref_slice %arg6[%add3A_33, %dma_wait3A_101] : memref<40x128xi32, #tpu.memory_space<vmem>> -> memref<1x128xi32, #tpu.memory_space<vmem>>
        %dma_wait3A_103 = tpu.memref_squeeze %dma_wait3A_102 : memref<1x128xi32, #tpu.memory_space<vmem>> -> memref<128xi32, #tpu.memory_space<vmem>>
        %dma_wait3A_104 = arith.constant 0 : i32
        %dma_wait3A_105 = arith.constant 0 : i32
        %dma_wait3A_106 = tpu.memref_slice %arg8[%dma_wait3A_104, %dma_wait3A_105] : memref<10112x32xf32, #tpu.memory_space<vmem_shared>> -> memref<10112x32xf32, #tpu.memory_space<vmem_shared>>
        tpu.wait_indirect_dma semaphore(%run_scoped3A_86 : memref<!tpu.dma_semaphore, #tpu.memory_space<semaphore_mem>>) src(%dma_wait3A_100 : memref<128x32xf32, #tpu.memory_space<vmem>>) dst(%dma_wait3A_106 : memref<10112x32xf32, #tpu.memory_space<vmem_shared>>)
        tpu.yield
      }) : () -> ()
    }
    %scan3A_27 = arith.constant 20 : i32
    %barrier3A_28 = arith.constant 0 : index
    tpu.barrier barrier_id(%barrier3A_28)
    "tpu.region"() ({
      %run_scoped3A = tpu.sem_alloc : memref<!tpu.dma_semaphore, #tpu.memory_space<semaphore_mem>>
      %dma_start3A_29 = arith.constant 0 : i32
      %dma_start3A_30 = tpu.memref_slice %arg5[%arg0, %mul3A_2, %dma_start3A_29] : memref<2x10112x128xf32, #tpu.memory_space<hbm>> -> memref<1x632x32xf32, #tpu.memory_space<hbm>>
      %dma_start3A_31 = tpu.memref_squeeze %dma_start3A_30 : memref<1x632x32xf32, #tpu.memory_space<hbm>> -> memref<632x32xf32, #tpu.memory_space<hbm>>
      %dma_start3A_32 = arith.constant 0 : i32
      %dma_start3A_33 = tpu.memref_slice %arg8[%mul3A_2, %dma_start3A_32] : memref<10112x32xf32, #tpu.memory_space<vmem_shared>> -> memref<632x32xf32, #tpu.memory_space<vmem_shared>>
      tpu.enqueue_dma source(%dma_start3A_33 : memref<632x32xf32, #tpu.memory_space<vmem_shared>>) target(%dma_start3A_31 : memref<632x32xf32, #tpu.memory_space<hbm>>) target_semaphore(%run_scoped3A : memref<!tpu.dma_semaphore, #tpu.memory_space<semaphore_mem>>)
      %dma_wait3A = arith.constant 0 : i32
      %dma_wait3A_34 = tpu.memref_slice %arg5[%arg0, %mul3A_2, %dma_wait3A] : memref<2x10112x128xf32, #tpu.memory_space<hbm>> -> memref<1x632x32xf32, #tpu.memory_space<hbm>>
      %dma_wait3A_35 = tpu.memref_squeeze %dma_wait3A_34 : memref<1x632x32xf32, #tpu.memory_space<hbm>> -> memref<632x32xf32, #tpu.memory_space<hbm>>
      %dma_wait3A_36 = arith.constant 0 : i32
      %dma_wait3A_37 = tpu.memref_slice %arg8[%mul3A_2, %dma_wait3A_36] : memref<10112x32xf32, #tpu.memory_space<vmem_shared>> -> memref<632x32xf32, #tpu.memory_space<vmem_shared>>
      tpu.wait_dma2 semaphore(%run_scoped3A : memref<!tpu.dma_semaphore, #tpu.memory_space<semaphore_mem>>) src(%dma_wait3A_37 : memref<632x32xf32, #tpu.memory_space<vmem_shared>>) dst(%dma_wait3A_35 : memref<632x32xf32, #tpu.memory_space<hbm>>)
      tpu.yield
    }) : () -> ()
    return
  }
}

module attributes {stable_mosaic.version = 14 : i64} {
  func.func @body(%arg0: i32, %arg1: memref<4000x128xf32, #tpu.memory_space<vmem>>, %arg2: memref<4000x16xbf16, #tpu.memory_space<vmem>>, %arg3: memref<16x64xbf16, #tpu.memory_space<vmem>>, %arg4: memref<1x64xf32, #tpu.memory_space<vmem>>, %arg5: memref<128x1024xbf16, #tpu.memory_space<vmem>>, %arg6: memref<128x16xbf16, #tpu.memory_space<vmem>>, %arg7: memref<1024x16xbf16, #tpu.memory_space<vmem>>, %arg8: memref<4000x128xf32, #tpu.memory_space<vmem>>) attributes {dimension_semantics = [#tpu.dimension_semantics<arbitrary>], iteration_bounds = array<i64: 40>, scalar_prefetch = 0 : i64, scratch_operands = 0 : i64, tpu.core_type = #tpu.core_type<tc>, window_params = [{transform_indices = @transform_0, window_bounds = array<i64: 4000, 128>}, {transform_indices = @transform_1, window_bounds = array<i64: 4000, 16>}, {pipeline_mode = #tpu.pipeline_mode<synchronous>, transform_indices = @transform_2, window_bounds = array<i64: 16, 64>}, {pipeline_mode = #tpu.pipeline_mode<synchronous>, transform_indices = @transform_3, window_bounds = array<i64: 1, 64>}, {pipeline_mode = #tpu.pipeline_mode<synchronous>, transform_indices = @transform_4, window_bounds = array<i64: 128, 1024>}, {pipeline_mode = #tpu.pipeline_mode<synchronous>, transform_indices = @transform_5, window_bounds = array<i64: 128, 16>}, {pipeline_mode = #tpu.pipeline_mode<synchronous>, transform_indices = @transform_6, window_bounds = array<i64: 1024, 16>}, {transform_indices = @transform_7, window_bounds = array<i64: 4000, 128>}]} {
    %get3A = arith.constant 0 : index
    %get3A_0 = arith.constant 0 : index
    %get3A_1 = vector.load %arg2[%get3A, %get3A_0] : memref<4000x16xbf16, #tpu.memory_space<vmem>>, vector<4000x16xbf16>
    %get3A_2 = arith.constant 0 : index
    %get3A_3 = arith.constant 0 : index
    %get3A_4 = vector.load %arg3[%get3A_2, %get3A_3] : memref<16x64xbf16, #tpu.memory_space<vmem>>, vector<16x64xbf16>
    %dot_general3A = arith.constant dense<0.000000e+00> : vector<4000x64xf32>
    %dot_general3A_5 = tpu.matmul %get3A_1, %get3A_4, %dot_general3A {dimension_numbers = #tpu.dot_dimension_numbers<[1], [0], [0], [1], [0, 0, 1, 1], [], []>, transpose_lhs_hint = false} : vector<4000x16xbf16>, vector<16x64xbf16>, vector<4000x64xf32> -> vector<4000x64xf32>
    %get3A_6 = arith.constant 0 : index
    %get3A_7 = arith.constant 0 : index
    %get3A_8 = vector.load %arg4[%get3A_6, %get3A_7] : memref<1x64xf32, #tpu.memory_space<vmem>>, vector<1x64xf32>
    %add3A = vector.broadcast %get3A_8 : vector<1x64xf32> to vector<4000x64xf32>
    %add3A_9 = arith.addf %dot_general3A_5, %add3A : vector<4000x64xf32>
    %max3A = arith.constant 0.000000e+00 : f32
    %max3A_10 = vector.broadcast %max3A : f32 to vector<4000x64xf32>
    %max3A_11 = arith.maximumf %add3A_9, %max3A_10 : vector<4000x64xf32>
    %convert_element_type3A = arith.truncf %max3A_11 : vector<4000x64xf32> to vector<4000x64xbf16>
    %get3A_12 = arith.constant 0 : index
    %get3A_13 = arith.constant 0 : index
    %get3A_14 = vector.load %arg1[%get3A_12, %get3A_13] : memref<4000x128xf32, #tpu.memory_space<vmem>>, vector<4000x128xf32>
    %convert_element_type3A_15 = arith.truncf %get3A_14 : vector<4000x128xf32> to vector<4000x128xbf16>
    %get3A_16 = arith.constant 0 : index
    %get3A_17 = arith.constant 0 : index
    %get3A_18 = vector.load %arg5[%get3A_16, %get3A_17] : memref<128x1024xbf16, #tpu.memory_space<vmem>>, vector<128x1024xbf16>
    %dot_general3A_19 = arith.constant dense<0.000000e+00> : vector<4000x1024xf32>
    %dot_general3A_20 = tpu.matmul %convert_element_type3A_15, %get3A_18, %dot_general3A_19 {dimension_numbers = #tpu.dot_dimension_numbers<[1], [0], [0], [1], [0, 0, 1, 1], [], []>, transpose_lhs_hint = false} : vector<4000x128xbf16>, vector<128x1024xbf16>, vector<4000x1024xf32> -> vector<4000x1024xf32>
    %convert_element_type3A_21 = arith.truncf %dot_general3A_20 : vector<4000x1024xf32> to vector<4000x1024xbf16>
    %concatenate3A = tpu.concatenate %convert_element_type3A, %convert_element_type3A, %convert_element_type3A, %convert_element_type3A, %convert_element_type3A, %convert_element_type3A, %convert_element_type3A, %convert_element_type3A, %convert_element_type3A, %convert_element_type3A, %convert_element_type3A, %convert_element_type3A, %convert_element_type3A, %convert_element_type3A, %convert_element_type3A, %convert_element_type3A in 1 : vector<4000x64xbf16>, vector<4000x64xbf16>, vector<4000x64xbf16>, vector<4000x64xbf16>, vector<4000x64xbf16>, vector<4000x64xbf16>, vector<4000x64xbf16>, vector<4000x64xbf16>, vector<4000x64xbf16>, vector<4000x64xbf16>, vector<4000x64xbf16>, vector<4000x64xbf16>, vector<4000x64xbf16>, vector<4000x64xbf16>, vector<4000x64xbf16>, vector<4000x64xbf16> -> vector<4000x1024xbf16>
    %mul3A = arith.mulf %convert_element_type3A_21, %concatenate3A : vector<4000x1024xbf16>
    %get3A_22 = arith.constant 0 : index
    %get3A_23 = arith.constant 0 : index
    %get3A_24 = vector.load %arg7[%get3A_22, %get3A_23] : memref<1024x16xbf16, #tpu.memory_space<vmem>>, vector<1024x16xbf16>
    %dot_general3A_25 = arith.constant dense<0.000000e+00> : vector<4000x16xf32>
    %dot_general3A_26 = tpu.matmul %mul3A, %get3A_24, %dot_general3A_25 {dimension_numbers = #tpu.dot_dimension_numbers<[1], [0], [0], [1], [0, 0, 1, 1], [], []>, transpose_lhs_hint = false} : vector<4000x1024xbf16>, vector<1024x16xbf16>, vector<4000x16xf32> -> vector<4000x16xf32>
    %get3A_27 = arith.constant 0 : index
    %get3A_28 = arith.constant 0 : index
    %get3A_29 = vector.load %arg6[%get3A_27, %get3A_28] : memref<128x16xbf16, #tpu.memory_space<vmem>>, vector<128x16xbf16>
    %dot_general3A_30 = arith.constant dense<0.000000e+00> : vector<4000x16xf32>
    %dot_general3A_31 = tpu.matmul %convert_element_type3A_15, %get3A_29, %dot_general3A_30 {dimension_numbers = #tpu.dot_dimension_numbers<[1], [0], [0], [1], [0, 0, 1, 1], [], []>, transpose_lhs_hint = false} : vector<4000x128xbf16>, vector<128x16xbf16>, vector<4000x16xf32> -> vector<4000x16xf32>
    %add3A_32 = arith.addf %dot_general3A_26, %dot_general3A_31 : vector<4000x16xf32>
    %swap3A = arith.constant 0 : index
    %swap3A_33 = arith.constant 0 : index
    %swap3A_34 = vector.load %arg8[%swap3A, %swap3A_33] : memref<4000x128xf32, #tpu.memory_space<vmem>>, vector<4000x16xf32>
    tpu.vector_store %arg8[%swap3A, %swap3A_33], %add3A_32 {strides = array<i32>} : memref<4000x128xf32, #tpu.memory_space<vmem>>, vector<4000x16xf32>,
    %broadcast_in_dim3A = arith.constant 1.000000e+00 : f32
    %broadcast_in_dim3A_35 = vector.broadcast %broadcast_in_dim3A : f32 to vector<4000x1xf32>
    %swap3A_36 = arith.constant 0 : index
    %swap3A_37 = arith.constant 16 : index
    %swap3A_38 = vector.load %arg8[%swap3A_36, %swap3A_37] : memref<4000x128xf32, #tpu.memory_space<vmem>>, vector<4000x1xf32>
    tpu.vector_store %arg8[%swap3A_36, %swap3A_37], %broadcast_in_dim3A_35 {strides = array<i32>} : memref<4000x128xf32, #tpu.memory_space<vmem>>, vector<4000x1xf32>,
    return
  }
  func.func @transform_0(%arg0: i32) -> (i32, i32) {
    %c0_i32 = arith.constant 0 : i32
    %c0_i32_0 = arith.constant 0 : i32
    return %arg0, %c0_i32 : i32, i32
  }
  func.func @transform_1(%arg0: i32) -> (i32, i32) {
    %add3A = arith.constant 0 : i32
    %add3A_0 = arith.addi %arg0, %add3A : i32
    %c0_i32 = arith.constant 0 : i32
    %c0_i32_1 = arith.constant 0 : i32
    return %add3A_0, %c0_i32 : i32, i32
  }
  func.func @transform_2(%arg0: i32) -> (i32, i32) {
    %c0_i32 = arith.constant 0 : i32
    %c0_i32_0 = arith.constant 0 : i32
    %c0_i32_1 = arith.constant 0 : i32
    return %c0_i32, %c0_i32_0 : i32, i32
  }
  func.func @transform_3(%arg0: i32) -> (i32, i32) {
    %c0_i32 = arith.constant 0 : i32
    %c0_i32_0 = arith.constant 0 : i32
    %c0_i32_1 = arith.constant 0 : i32
    return %c0_i32, %c0_i32_0 : i32, i32
  }
  func.func @transform_4(%arg0: i32) -> (i32, i32) {
    %c0_i32 = arith.constant 0 : i32
    %c0_i32_0 = arith.constant 0 : i32
    %c0_i32_1 = arith.constant 0 : i32
    return %c0_i32, %c0_i32_0 : i32, i32
  }
  func.func @transform_5(%arg0: i32) -> (i32, i32) {
    %c0_i32 = arith.constant 0 : i32
    %c0_i32_0 = arith.constant 0 : i32
    %c0_i32_1 = arith.constant 0 : i32
    return %c0_i32, %c0_i32_0 : i32, i32
  }
  func.func @transform_6(%arg0: i32) -> (i32, i32) {
    %c0_i32 = arith.constant 0 : i32
    %c0_i32_0 = arith.constant 0 : i32
    %c0_i32_1 = arith.constant 0 : i32
    return %c0_i32, %c0_i32_0 : i32, i32
  }
  func.func @transform_7(%arg0: i32) -> (i32, i32) {
    %c0_i32 = arith.constant 0 : i32
    %c0_i32_0 = arith.constant 0 : i32
    return %arg0, %c0_i32 : i32, i32
  }
}

module attributes {stable_mosaic.version = 14 : i64} {
  func.func @body(%arg0: memref<10112x128xf32, #tpu.memory_space<vmem>>, %arg1: memref<10112x128xf32, #tpu.memory_space<vmem>>, %arg2: memref<10000x128xf32, #tpu.memory_space<vmem>>, %arg3: memref<128x16xf32, #tpu.memory_space<vmem>>, %arg4: memref<1x16xf32, #tpu.memory_space<vmem>>, %arg5: memref<10000x128xf32, #tpu.memory_space<vmem>>) attributes {dimension_semantics = [], scalar_prefetch = 0 : i64, scratch_operands = 0 : i64, tpu.core_type = #tpu.core_type<tc>} {
    %get3A = arith.constant 0 : index
    %get3A_0 = arith.constant 0 : index
    %get3A_1 = vector.load %arg0[%get3A, %get3A_0] : memref<10112x128xf32, #tpu.memory_space<vmem>>, vector<10000x32xf32>
    %get3A_2 = arith.constant 0 : index
    %get3A_3 = arith.constant 0 : index
    %get3A_4 = vector.load %arg1[%get3A_2, %get3A_3] : memref<10112x128xf32, #tpu.memory_space<vmem>>, vector<10000x32xf32>
    %add3A = arith.addf %get3A_1, %get3A_4 : vector<10000x32xf32>
    %slice3A = vector.extract_strided_slice %add3A {offsets = [0, 16], sizes = [10000, 1], strides = [1, 1]} : vector<10000x32xf32> to vector<10000x1xf32>
    %max3A = arith.constant 1.000000e+00 : f32
    %max3A_5 = vector.broadcast %max3A : f32 to vector<10000x1xf32>
    %max3A_6 = arith.maximumf %slice3A, %max3A_5 : vector<10000x1xf32>
    %get3A_7 = arith.constant 0 : index
    %get3A_8 = arith.constant 0 : index
    %get3A_9 = vector.load %arg2[%get3A_7, %get3A_8] : memref<10000x128xf32, #tpu.memory_space<vmem>>, vector<10000x128xf32>
    %slice3A_10 = vector.extract_strided_slice %add3A {offsets = [0, 0], sizes = [10000, 16], strides = [1, 1]} : vector<10000x32xf32> to vector<10000x16xf32>
    %div3A = vector.broadcast %max3A_6 : vector<10000x1xf32> to vector<10000x16xf32>
    %div3A_11 = arith.divf %slice3A_10, %div3A : vector<10000x16xf32>
    %get3A_12 = arith.constant 0 : index
    %get3A_13 = arith.constant 0 : index
    %get3A_14 = vector.load %arg3[%get3A_12, %get3A_13] : memref<128x16xf32, #tpu.memory_space<vmem>>, vector<128x16xf32>
    %dot_general3A = arith.constant dense<0.000000e+00> : vector<10000x16xf32>
    %dot_general3A_15 = tpu.matmul %get3A_9, %get3A_14, %dot_general3A {dimension_numbers = #tpu.dot_dimension_numbers<[1], [0], [0], [1], [0, 0, 1, 1], [], []>, transpose_lhs_hint = false} : vector<10000x128xf32>, vector<128x16xf32>, vector<10000x16xf32> -> vector<10000x16xf32>
    %add3A_16 = arith.addf %div3A_11, %dot_general3A_15 : vector<10000x16xf32>
    %get3A_17 = arith.constant 0 : index
    %get3A_18 = arith.constant 0 : index
    %get3A_19 = vector.load %arg4[%get3A_17, %get3A_18] : memref<1x16xf32, #tpu.memory_space<vmem>>, vector<1x16xf32>
    %add3A_20 = vector.broadcast %get3A_19 : vector<1x16xf32> to vector<10000x16xf32>
    %add3A_21 = arith.addf %add3A_16, %add3A_20 : vector<10000x16xf32>
    %max3A_22 = arith.constant 0.000000e+00 : f32
    %max3A_23 = vector.broadcast %max3A_22 : f32 to vector<10000x16xf32>
    %max3A_24 = arith.maximumf %add3A_21, %max3A_23 : vector<10000x16xf32>
    %swap3A = arith.constant 0 : index
    %swap3A_25 = arith.constant 0 : index
    %swap3A_26 = vector.load %arg5[%swap3A, %swap3A_25] : memref<10000x128xf32, #tpu.memory_space<vmem>>, vector<10000x16xf32>
    tpu.vector_store %arg5[%swap3A, %swap3A_25], %max3A_24 {strides = array<i32>} : memref<10000x128xf32, #tpu.memory_space<vmem>>, vector<10000x16xf32>,
    return
  }
}

module attributes {stable_mosaic.version = 14 : i64} {
  func.func @body(%arg0: i32, %arg1: memref<4000x128xf32, #tpu.memory_space<vmem>>, %arg2: memref<4000x16xbf16, #tpu.memory_space<vmem>>, %arg3: memref<16x64xbf16, #tpu.memory_space<vmem>>, %arg4: memref<1x64xf32, #tpu.memory_space<vmem>>, %arg5: memref<64x256xf32, #tpu.memory_space<vmem>>, %arg6: memref<1x256xf32, #tpu.memory_space<vmem>>, %arg7: memref<16x256xbf16, #tpu.memory_space<vmem>>, %arg8: memref<256x16xbf16, #tpu.memory_space<vmem>>, %arg9: memref<4000x128xf32, #tpu.memory_space<vmem>>) attributes {dimension_semantics = [#tpu.dimension_semantics<arbitrary>], iteration_bounds = array<i64: 40>, scalar_prefetch = 0 : i64, scratch_operands = 0 : i64, tpu.core_type = #tpu.core_type<tc>, window_params = [{transform_indices = @transform_0, window_bounds = array<i64: 4000, 128>}, {transform_indices = @transform_1, window_bounds = array<i64: 4000, 16>}, {pipeline_mode = #tpu.pipeline_mode<synchronous>, transform_indices = @transform_2, window_bounds = array<i64: 16, 64>}, {pipeline_mode = #tpu.pipeline_mode<synchronous>, transform_indices = @transform_3, window_bounds = array<i64: 1, 64>}, {pipeline_mode = #tpu.pipeline_mode<synchronous>, transform_indices = @transform_4, window_bounds = array<i64: 64, 256>}, {pipeline_mode = #tpu.pipeline_mode<synchronous>, transform_indices = @transform_5, window_bounds = array<i64: 1, 256>}, {pipeline_mode = #tpu.pipeline_mode<synchronous>, transform_indices = @transform_6, window_bounds = array<i64: 16, 256>}, {pipeline_mode = #tpu.pipeline_mode<synchronous>, transform_indices = @transform_7, window_bounds = array<i64: 256, 16>}, {transform_indices = @transform_8, window_bounds = array<i64: 4000, 128>}]} {
    %get3A = arith.constant 0 : index
    %get3A_0 = arith.constant 0 : index
    %get3A_1 = vector.load %arg2[%get3A, %get3A_0] : memref<4000x16xbf16, #tpu.memory_space<vmem>>, vector<4000x16xbf16>
    %get3A_2 = arith.constant 0 : index
    %get3A_3 = arith.constant 0 : index
    %get3A_4 = vector.load %arg3[%get3A_2, %get3A_3] : memref<16x64xbf16, #tpu.memory_space<vmem>>, vector<16x64xbf16>
    %dot_general3A = arith.constant dense<0.000000e+00> : vector<4000x64xf32>
    %dot_general3A_5 = tpu.matmul %get3A_1, %get3A_4, %dot_general3A {dimension_numbers = #tpu.dot_dimension_numbers<[1], [0], [0], [1], [0, 0, 1, 1], [], []>, transpose_lhs_hint = false} : vector<4000x16xbf16>, vector<16x64xbf16>, vector<4000x64xf32> -> vector<4000x64xf32>
    %get3A_6 = arith.constant 0 : index
    %get3A_7 = arith.constant 0 : index
    %get3A_8 = vector.load %arg4[%get3A_6, %get3A_7] : memref<1x64xf32, #tpu.memory_space<vmem>>, vector<1x64xf32>
    %add3A = vector.broadcast %get3A_8 : vector<1x64xf32> to vector<4000x64xf32>
    %add3A_9 = arith.addf %dot_general3A_5, %add3A : vector<4000x64xf32>
    %max3A = arith.constant 0.000000e+00 : f32
    %max3A_10 = vector.broadcast %max3A : f32 to vector<4000x64xf32>
    %max3A_11 = arith.maximumf %add3A_9, %max3A_10 : vector<4000x64xf32>
    %get3A_12 = arith.constant 0 : index
    %get3A_13 = arith.constant 0 : index
    %get3A_14 = vector.load %arg5[%get3A_12, %get3A_13] : memref<64x256xf32, #tpu.memory_space<vmem>>, vector<64x256xf32>
    %dot_general3A_15 = arith.constant dense<0.000000e+00> : vector<4000x256xf32>
    %dot_general3A_16 = tpu.matmul %max3A_11, %get3A_14, %dot_general3A_15 {dimension_numbers = #tpu.dot_dimension_numbers<[1], [0], [0], [1], [0, 0, 1, 1], [], []>, transpose_lhs_hint = false} : vector<4000x64xf32>, vector<64x256xf32>, vector<4000x256xf32> -> vector<4000x256xf32>
    %get3A_17 = arith.constant 0 : index
    %get3A_18 = arith.constant 0 : index
    %get3A_19 = vector.load %arg6[%get3A_17, %get3A_18] : memref<1x256xf32, #tpu.memory_space<vmem>>, vector<1x256xf32>
    %add3A_20 = vector.broadcast %get3A_19 : vector<1x256xf32> to vector<4000x256xf32>
    %add3A_21 = arith.addf %dot_general3A_16, %add3A_20 : vector<4000x256xf32>
    %get3A_22 = arith.constant 0 : index
    %get3A_23 = arith.constant 0 : index
    %get3A_24 = vector.load %arg1[%get3A_22, %get3A_23] : memref<4000x128xf32, #tpu.memory_space<vmem>>, vector<4000x16xf32>
    %convert_element_type3A = arith.truncf %get3A_24 : vector<4000x16xf32> to vector<4000x16xbf16>
    %get3A_25 = arith.constant 0 : index
    %get3A_26 = arith.constant 0 : index
    %get3A_27 = vector.load %arg7[%get3A_25, %get3A_26] : memref<16x256xbf16, #tpu.memory_space<vmem>>, vector<16x256xbf16>
    %dot_general3A_28 = arith.constant dense<0.000000e+00> : vector<4000x256xf32>
    %dot_general3A_29 = tpu.matmul %convert_element_type3A, %get3A_27, %dot_general3A_28 {dimension_numbers = #tpu.dot_dimension_numbers<[1], [0], [0], [1], [0, 0, 1, 1], [], []>, transpose_lhs_hint = false} : vector<4000x16xbf16>, vector<16x256xbf16>, vector<4000x256xf32> -> vector<4000x256xf32>
    %mul3A = arith.mulf %add3A_21, %dot_general3A_29 : vector<4000x256xf32>
    %convert_element_type3A_30 = arith.truncf %mul3A : vector<4000x256xf32> to vector<4000x256xbf16>
    %get3A_31 = arith.constant 0 : index
    %get3A_32 = arith.constant 0 : index
    %get3A_33 = vector.load %arg8[%get3A_31, %get3A_32] : memref<256x16xbf16, #tpu.memory_space<vmem>>, vector<256x16xbf16>
    %dot_general3A_34 = arith.constant dense<0.000000e+00> : vector<4000x16xf32>
    %dot_general3A_35 = tpu.matmul %convert_element_type3A_30, %get3A_33, %dot_general3A_34 {dimension_numbers = #tpu.dot_dimension_numbers<[1], [0], [0], [1], [0, 0, 1, 1], [], []>, transpose_lhs_hint = false} : vector<4000x256xbf16>, vector<256x16xbf16>, vector<4000x16xf32> -> vector<4000x16xf32>
    %swap3A = arith.constant 0 : index
    %swap3A_36 = arith.constant 0 : index
    %swap3A_37 = vector.load %arg9[%swap3A, %swap3A_36] : memref<4000x128xf32, #tpu.memory_space<vmem>>, vector<4000x16xf32>
    tpu.vector_store %arg9[%swap3A, %swap3A_36], %dot_general3A_35 {strides = array<i32>} : memref<4000x128xf32, #tpu.memory_space<vmem>>, vector<4000x16xf32>,
    %broadcast_in_dim3A = arith.constant 1.000000e+00 : f32
    %broadcast_in_dim3A_38 = vector.broadcast %broadcast_in_dim3A : f32 to vector<4000x1xf32>
    %swap3A_39 = arith.constant 0 : index
    %swap3A_40 = arith.constant 16 : index
    %swap3A_41 = vector.load %arg9[%swap3A_39, %swap3A_40] : memref<4000x128xf32, #tpu.memory_space<vmem>>, vector<4000x1xf32>
    tpu.vector_store %arg9[%swap3A_39, %swap3A_40], %broadcast_in_dim3A_38 {strides = array<i32>} : memref<4000x128xf32, #tpu.memory_space<vmem>>, vector<4000x1xf32>,
    return
  }
  func.func @transform_0(%arg0: i32) -> (i32, i32) {
    %c0_i32 = arith.constant 0 : i32
    %c0_i32_0 = arith.constant 0 : i32
    return %arg0, %c0_i32 : i32, i32
  }
  func.func @transform_1(%arg0: i32) -> (i32, i32) {
    %c0_i32 = arith.constant 0 : i32
    %c0_i32_0 = arith.constant 0 : i32
    return %arg0, %c0_i32 : i32, i32
  }
  func.func @transform_2(%arg0: i32) -> (i32, i32) {
    %c0_i32 = arith.constant 0 : i32
    %c0_i32_0 = arith.constant 0 : i32
    %c0_i32_1 = arith.constant 0 : i32
    return %c0_i32, %c0_i32_0 : i32, i32
  }
  func.func @transform_3(%arg0: i32) -> (i32, i32) {
    %c0_i32 = arith.constant 0 : i32
    %c0_i32_0 = arith.constant 0 : i32
    %c0_i32_1 = arith.constant 0 : i32
    return %c0_i32, %c0_i32_0 : i32, i32
  }
  func.func @transform_4(%arg0: i32) -> (i32, i32) {
    %c0_i32 = arith.constant 0 : i32
    %c0_i32_0 = arith.constant 0 : i32
    %c0_i32_1 = arith.constant 0 : i32
    return %c0_i32, %c0_i32_0 : i32, i32
  }
  func.func @transform_5(%arg0: i32) -> (i32, i32) {
    %c0_i32 = arith.constant 0 : i32
    %c0_i32_0 = arith.constant 0 : i32
    %c0_i32_1 = arith.constant 0 : i32
    return %c0_i32, %c0_i32_0 : i32, i32
  }
  func.func @transform_6(%arg0: i32) -> (i32, i32) {
    %c0_i32 = arith.constant 0 : i32
    %c0_i32_0 = arith.constant 0 : i32
    %c0_i32_1 = arith.constant 0 : i32
    return %c0_i32, %c0_i32_0 : i32, i32
  }
  func.func @transform_7(%arg0: i32) -> (i32, i32) {
    %c0_i32 = arith.constant 0 : i32
    %c0_i32_0 = arith.constant 0 : i32
    %c0_i32_1 = arith.constant 0 : i32
    return %c0_i32, %c0_i32_0 : i32, i32
  }
  func.func @transform_8(%arg0: i32) -> (i32, i32) {
    %c0_i32 = arith.constant 0 : i32
    %c0_i32_0 = arith.constant 0 : i32
    return %arg0, %c0_i32 : i32, i32
  }
}

module attributes {stable_mosaic.version = 14 : i64} {
  func.func @body(%arg0: memref<10112x128xf32, #tpu.memory_space<vmem>>, %arg1: memref<10112x128xf32, #tpu.memory_space<vmem>>, %arg2: memref<10000x128xf32, #tpu.memory_space<vmem>>, %arg3: memref<16x16xf32, #tpu.memory_space<vmem>>, %arg4: memref<1x16xf32, #tpu.memory_space<vmem>>, %arg5: memref<16x16xf32, #tpu.memory_space<vmem>>, %arg6: memref<1x16xf32, #tpu.memory_space<vmem>>, %arg7: memref<10000x16xf32, #tpu.memory_space<vmem>>) attributes {dimension_semantics = [], scalar_prefetch = 0 : i64, scratch_operands = 0 : i64, tpu.core_type = #tpu.core_type<tc>} {
    %get3A = arith.constant 0 : index
    %get3A_0 = arith.constant 0 : index
    %get3A_1 = vector.load %arg0[%get3A, %get3A_0] : memref<10112x128xf32, #tpu.memory_space<vmem>>, vector<10000x32xf32>
    %get3A_2 = arith.constant 0 : index
    %get3A_3 = arith.constant 0 : index
    %get3A_4 = vector.load %arg1[%get3A_2, %get3A_3] : memref<10112x128xf32, #tpu.memory_space<vmem>>, vector<10000x32xf32>
    %add3A = arith.addf %get3A_1, %get3A_4 : vector<10000x32xf32>
    %slice3A = vector.extract_strided_slice %add3A {offsets = [0, 16], sizes = [10000, 1], strides = [1, 1]} : vector<10000x32xf32> to vector<10000x1xf32>
    %max3A = arith.constant 1.000000e+00 : f32
    %max3A_5 = vector.broadcast %max3A : f32 to vector<10000x1xf32>
    %max3A_6 = arith.maximumf %slice3A, %max3A_5 : vector<10000x1xf32>
    %get3A_7 = arith.constant 0 : index
    %get3A_8 = arith.constant 0 : index
    %get3A_9 = vector.load %arg2[%get3A_7, %get3A_8] : memref<10000x128xf32, #tpu.memory_space<vmem>>, vector<10000x128xf32>
    %slice3A_10 = vector.extract_strided_slice %get3A_9 {offsets = [0, 0], sizes = [10000, 16], strides = [1, 1]} : vector<10000x128xf32> to vector<10000x16xf32>
    %slice3A_11 = vector.extract_strided_slice %add3A {offsets = [0, 0], sizes = [10000, 16], strides = [1, 1]} : vector<10000x32xf32> to vector<10000x16xf32>
    %div3A = vector.broadcast %max3A_6 : vector<10000x1xf32> to vector<10000x16xf32>
    %div3A_12 = arith.divf %slice3A_11, %div3A : vector<10000x16xf32>
    %get3A_13 = arith.constant 0 : index
    %get3A_14 = arith.constant 0 : index
    %get3A_15 = vector.load %arg3[%get3A_13, %get3A_14] : memref<16x16xf32, #tpu.memory_space<vmem>>, vector<16x16xf32>
    %dot_general3A = arith.constant dense<0.000000e+00> : vector<10000x16xf32>
    %dot_general3A_16 = tpu.matmul %slice3A_10, %get3A_15, %dot_general3A {dimension_numbers = #tpu.dot_dimension_numbers<[1], [0], [0], [1], [0, 0, 1, 1], [], []>, transpose_lhs_hint = false} : vector<10000x16xf32>, vector<16x16xf32>, vector<10000x16xf32> -> vector<10000x16xf32>
    %add3A_17 = arith.addf %div3A_12, %dot_general3A_16 : vector<10000x16xf32>
    %get3A_18 = arith.constant 0 : index
    %get3A_19 = arith.constant 0 : index
    %get3A_20 = vector.load %arg4[%get3A_18, %get3A_19] : memref<1x16xf32, #tpu.memory_space<vmem>>, vector<1x16xf32>
    %add3A_21 = vector.broadcast %get3A_20 : vector<1x16xf32> to vector<10000x16xf32>
    %add3A_22 = arith.addf %add3A_17, %add3A_21 : vector<10000x16xf32>
    %max3A_23 = arith.constant 0.000000e+00 : f32
    %max3A_24 = vector.broadcast %max3A_23 : f32 to vector<10000x16xf32>
    %max3A_25 = arith.maximumf %add3A_22, %max3A_24 : vector<10000x16xf32>
    %get3A_26 = arith.constant 0 : index
    %get3A_27 = arith.constant 0 : index
    %get3A_28 = vector.load %arg5[%get3A_26, %get3A_27] : memref<16x16xf32, #tpu.memory_space<vmem>>, vector<16x16xf32>
    %dot_general3A_29 = arith.constant dense<0.000000e+00> : vector<10000x16xf32>
    %dot_general3A_30 = tpu.matmul %max3A_25, %get3A_28, %dot_general3A_29 {dimension_numbers = #tpu.dot_dimension_numbers<[1], [0], [0], [1], [0, 0, 1, 1], [], []>, transpose_lhs_hint = false} : vector<10000x16xf32>, vector<16x16xf32>, vector<10000x16xf32> -> vector<10000x16xf32>
    %get3A_31 = arith.constant 0 : index
    %get3A_32 = arith.constant 0 : index
    %get3A_33 = vector.load %arg6[%get3A_31, %get3A_32] : memref<1x16xf32, #tpu.memory_space<vmem>>, vector<1x16xf32>
    %add3A_34 = vector.broadcast %get3A_33 : vector<1x16xf32> to vector<10000x16xf32>
    %add3A_35 = arith.addf %dot_general3A_30, %add3A_34 : vector<10000x16xf32>
    %swap3A = arith.constant 0 : index
    %swap3A_36 = arith.constant 0 : index
    %swap3A_37 = vector.load %arg7[%swap3A, %swap3A_36] : memref<10000x16xf32, #tpu.memory_space<vmem>>, vector<10000x16xf32>
    tpu.vector_store %arg7[%swap3A, %swap3A_36], %add3A_35 {strides = array<i32>} : memref<10000x16xf32, #tpu.memory_space<vmem>>, vector<10000x16xf32>,
    return
  }
}

</mosaic_0001>

<sc_bundles>
// kernel: kernel.10.cloned.1.call-start
scs
__scs_entry_jumppad:
0x0: {  	(pc) =	sbr.rel $0x88, $3  }
0x1: {  	(tag) =	ssettag $0x0;
	lr =	simm.s32 $0x1  }
0x2: {  	[smem:$0x3F90] =	sst lr;
	_ =	strace $0xD0000000  }
0x3: {  	_ = 	snop  }
0x4: {  	_ = 	snop  }
0x5: {  	_ = 	snop  }
0x6: {  	_ = 	snop  }
0x7: {  	_ = 	snop  }
__scs_overlays_trampoline_lowered:
0x8: {  	[smem:$0x3F9F] =	sst s0  }
0x9: {  	[smem:$0x3FA0] =	sst s1  }
0xa: {  	[smem:$0x3FA1] =	sst s2  }
0xb: {  	[smem:$0x3FA2] =	sst s3  }
0xc: {  	[smem:$0x3FA3] =	sst s4  }
0xd: {  	[smem:$0x3FA4] =	sst s5  }
0xe: {  	[smem:$0x3FA5] =	sst s6  }
0xf: {  	[smem:$0x3FA6] =	sst s7  }
0x10: {  	[smem:$0x3FA7] =	sst s8  }
0x11: {  	[smem:$0x3FA8] =	sst s9;
	s0 =	simm.s32 @!p0 $0x0  }
0x12: {  	s1 =	sld [smem:$0x3F8E];
	s0 =	simm.s32 @p0 $0x1  }
0x13: {  	[smem:$0x3FA9] =	sst s0;
	s0 =	simm.s32 @!p1 $0x0  }
0x14: {  	s2 =	sld [smem:$0x3F8D];
	s0 =	simm.s32 @p1 $0x1  }
0x15: {  	[smem:$0x3FAA] =	sst s0;
	s0 =	simm.s32 @!p2 $0x0  }
0x16: {  	s3 =	sld [smem:$0x3FDB];
	s0 =	simm.s32 @p2 $0x1  }
0x17: {  	s4 =	simm.s32 $0x1BF5;
	[smem:$0x3FAC] =	sst s0  }
0x18: {  	s0 =	sld [smem:$0x3F8F];
	_ =	swait.ge [sflag:s4], $0x0  }
0x19: {  	s7 =	sld [smem:$0x3F90]  }
0x1a: {  	s8 =	sadd.s32 $0xFFFFE003, lr  }
0x1b: {  	s9 =	sadd.s32 $0xFFFFFEF7, lr;
	s5 =	simm.s32 $0xFFFFFFFF;
	p2 =	slt.u32 s8, $0xFFFFF086  }
0x1c: {  	p1 =	slt.u32 s9, $0xF7A;
	s5 =	simm.s32 @!p2 $0x0  }
0x1d: {  	s5 =	simm.s32 @p1 $0x1;
	p0 =	seq.s32 s7, s2  }
0x1e: {  	s7 =	smul.u32 @!p0 $0xF7A, s2;
	p2 =	seq.s32 @!p0 s5, $0x0  }
0x1f: {  	s9 =	smul.u32 $0xF7A, s1;
	s8 =	simm.s32 @!p0 $0x1BF5;
	p2 =	por !p2, p0  }
0x20: {  	[sflag:s8] =	ssyncset.s32 @!p0 $0xFFFFF086;
	s6 =	sadd.s32 @!p0 s3, s7;
	s7 =	simm.s32 @!p0 $0x108  }
0x21: {  	s3 =	sadd.s32 s3, s9;
	s6 =	sadd.s32 @!p0 $0x88, s6;
	s7 =	simm.s32 @p2 $0x1082  }
0x22: {  	[simem:s7], [sflag:s8] =	dma.local @!p0 [hbm:s6], $0xF7A  }
0x23: {  	s9 =	sor.u32 $0xD0000000, s2;
	s6 =	simm.s32 $0x108;
	_ =	swait.ge @!p0 [sflag:s8], $0x0  }
0x24: {  	s3 =	sadd.s32 $0x88, s3;
	s6 =	simm.s32 @!p1 $0x1082;
	[sflag:s4] =	ssyncset.s32 $0xFFFFF086  }
0x25: {  	[simem:s6], [sflag:s4] =	dma.local [hbm:s3], $0xF7A  }
0x26: {  	[smem:$0x3F90] =	sst s1;
	(tag) =	ssettag s2;
	_ =	strace s9  }
0x27: {  	s1 =	sld [smem:$0x3FA0]  }
0x28: {  	s2 =	sld [smem:$0x3FA1]  }
0x29: {  	s4 =	sld [smem:$0x3FA3]  }
0x2a: {  	p0 =	seq.s32 s5, $0x0;
	s5 =	sld [smem:$0x3FA4]  }
0x2b: {  	s6 =	sld [smem:$0x3FA5]  }
0x2c: {  	s7 =	sld [smem:$0x3FA6]  }
0x2d: {  	s3 =	simm.s32 $0x108;
	s8 =	sld [smem:$0x3FA7]  }
0x2e: {  	s3 =	simm.s32 @!p0 $0x1082;
	s9 =	sld [smem:$0x3FA8]  }
0x2f: {  	lr =	sadd.s32 s0, s3;
	s0 =	sld [smem:$0x3F9F]  }
0x30: {  	s3 =	sld [smem:$0x3FA2]  }
0x31: {  	[smem:$0x3FAB] =	sst s10  }
0x32: {  	s10 =	sld [smem:$0x3FA9];
	_ =	sdelay $0x3  }
0x33: {  	p0 =	seq.s32 s10, $0x1;
	s10 =	sld [smem:$0x3FAB];
	_ =	sdelay $0x3  }
0x34: {  	[smem:$0x3FAB] =	sst s10  }
0x35: {  	s10 =	sld [smem:$0x3FAA];
	_ =	sdelay $0x3  }
0x36: {  	p1 =	seq.s32 s10, $0x1;
	s10 =	sld [smem:$0x3FAB];
	_ =	sdelay $0x3  }
0x37: {  	[smem:$0x3FAB] =	sst s10  }
0x38: {  	s10 =	sld [smem:$0x3FAC]  }
0x39: {  	_ = 	snop;
	(pc) =	sbr.ind lr, $3  }
0x3a: {  	_ = 	snop  }
0x3b: {  	_ = 	snop  }
0x3c: {  	p2 =	seq.s32 s10, $0x1;
	s10 =	sld [smem:$0x3FAB]  }
0x3d: {  	_ =	shalt  }
0x3e: {  	_ =	shalt  }
0x3f: {  	_ =	shalt  }
0x40: {  	_ =	shalt  }
0x41: {  	_ =	shalt  }
0x42: {  	_ =	shalt  }
0x43: {  	_ =	shalt  }
0x44: {  	_ =	shalt  }
0x45: {  	_ =	shalt  }
0x46: {  	_ =	shalt  }
0x47: {  	_ =	shalt  }
0x48: {  	_ =	shalt  }
0x49: {  	_ =	shalt  }
0x4a: {  	_ =	shalt  }
0x4b: {  	_ =	shalt  }
0x4c: {  	_ =	shalt  }
0x4d: {  	_ =	shalt  }
0x4e: {  	_ =	shalt  }
0x4f: {  	_ =	shalt  }
0x50: {  	_ =	shalt  }
0x51: {  	_ =	shalt  }
0x52: {  	_ =	shalt  }
0x53: {  	_ =	shalt  }
0x54: {  	_ =	shalt  }
0x55: {  	_ =	shalt  }
0x56: {  	_ =	shalt  }
0x57: {  	_ =	shalt  }
0x58: {  	_ =	shalt  }
0x59: {  	_ =	shalt  }
0x5a: {  	_ =	shalt  }
0x5b: {  	_ =	shalt  }
0x5c: {  	_ =	shalt  }
0x5d: {  	_ =	shalt  }
0x5e: {  	_ =	shalt  }
0x5f: {  	_ =	shalt  }
0x60: {  	_ =	shalt  }
0x61: {  	_ =	shalt  }
0x62: {  	_ =	shalt  }
0x63: {  	_ =	shalt  }
0x64: {  	_ =	shalt  }
0x65: {  	_ =	shalt  }
0x66: {  	_ =	shalt  }
0x67: {  	_ =	shalt  }
0x68: {  	_ =	shalt  }
0x69: {  	_ =	shalt  }
0x6a: {  	_ =	shalt  }
0x6b: {  	_ =	shalt  }
0x6c: {  	_ =	shalt  }
0x6d: {  	_ =	shalt  }
0x6e: {  	_ =	shalt  }
0x6f: {  	_ =	shalt  }
0x70: {  	_ =	shalt  }
0x71: {  	_ =	shalt  }
0x72: {  	_ =	shalt  }
0x73: {  	_ =	shalt  }
0x74: {  	_ =	shalt  }
0x75: {  	_ =	shalt  }
0x76: {  	_ =	shalt  }
0x77: {  	_ =	shalt  }
0x78: {  	_ =	shalt  }
0x79: {  	_ =	shalt  }
0x7a: {  	_ =	shalt  }
0x7b: {  	_ =	shalt  }
0x7c: {  	_ =	shalt  }
0x7d: {  	_ =	shalt  }
0x7e: {  	_ =	shalt  }
0x7f: {  	_ =	shalt  }
0x80: {  	_ =	shalt  }
0x81: {  	_ =	shalt  }
0x82: {  	_ =	shalt  }
0x83: {  	_ =	shalt  }
0x84: {  	_ =	shalt  }
0x85: {  	_ =	shalt  }
0x86: {  	_ =	shalt  }
0x87: {  	_ =	shalt  }
.Lfunc_end0:
.L_simem_size_0:
called_computation_lowered:
.L_overlay_start_0:
0x88: {  	s2 =	sld [smem:$0x3FD9]  }
0x89: {  	s3 =	sld [smem:$0x3FFE];
	_ =	sdelay $0x1  }
0x8a: {  	s1 =	srdreg.scid  }
0x8b: {  	s0 =	sand.u32 $0x1, s1  }
0x8c: {  	s17 =	sshll.u32 s0, $0xA;
	s2 =	sadd.s32 s3, s2  }
0x8d: {  	s2 =	sadd.s32 s2, s17  }
0x8e: {  	[smem:$0x3FB7] =	sst s2  }
0x8f: {  	_ = 	snop  }
0x90: {  	s2 =	sld [smem:$0x3FC9];
	(tm) =	ssettm $0x1  }
0x91: {  	s18 =	sld [smem:$0x3FFB];
	_ =	sdelay $0x3  }
0x92: {  	_ =	strace s18  }
0x93: {  	s3 =	sld [smem:$0x3FFC];
	_ =	sdelay $0x3  }
0x94: {  	_ =	strace s3  }
0x95: {  	s3 =	sld [smem:$0x3FFD];
	_ =	sdelay $0x3  }
0x96: {  	_ =	strace s3  }
0x97: {  	_ =	strace $0x8FFFFFFF  }
0x98: {  	s19 =	sld [smem:$0x3FDB];
	_ =	sdelay $0x1  }
0x99: {  	s4 =	simm.s32 $_scs_section_size  }
0x9a: {  	s5 =	simm.s32 $_size__tile_overlayer_lowered;
	s6 =	simm.s32 $_tile_overlayer_lowered  }
0x9b: {  	s22 =	simm.s32 $0x1BFF;
	s21 =	sshll.u32 s6, $0x1;
	s3 =	sadd.s32 s4, s19  }
0x9c: {  	s7 =	simm.s32 $0x0;
	s20 =	sshll.u32 s5, $0x1;
	s5 =	sadd.s32 s21, s3  }
0x9d: {  	[timem:s7], [sflag:s22] =	dma.local [hbm:s5], s20  }
0x9e: {  	_ =	swait.ge [sflag:s22], s20  }
0x9f: {  	s4 =	ssub.s32 $0x0, s20;
	[sflag:s22] =	ssyncset.done $0x0  }
0xa0: {  	[sflag:s22] =	ssyncadd.s32 s4;
	_ =	sdelay $0x1  }
0xa1: {  	s23 =	simm.s32 $0x1B8B  }
0xa2: {  	_ =	swait.ge [sflag:s23], $0x1  }
0xa3: {  	[sflag:s23] =	ssyncset.done $0x0  }
0xa4: {  	s25 =	simm.s32 $0x1B8E;
	s24 =	sld [smem:$0x3FFE];
	[sflag:s23] =	ssyncadd.s32 $0xFFFFFFFF  }
0xa5: {  	s26 =	simm.s32 $execute0_lowered;
	[smem:$0x3FD2] =	sst s25  }
0xa6: {  	s5 =	sshll.u32 s26, $0x1;
	_ =	strace $0x80000046;
	[dreg:$0x1] =	wrdreg $0xFFFFFFFF  }
0xa7: {  	s28 =	simm.s32 $_size_execute0_lowered;
	s3 =	sadd.s32 s3, s5;
	[dreg:$0x0] =	wrdreg $0x0  }
0xa8: {  	s5 =	sshll.u32 s28, $0x1;
	[dreg:$0x2] =	wrdreg s3  }
0xa9: {  	[dreg:$0x3] =	wrdreg s5  }
0xaa: {  	[dreg:$0x4] =	wrdreg $0xC0  }
0xab: {  	_ =	task [dreg:s7], $0x5FFFF  }
0xac: {  	[dreg:$0x1] =	wrdreg $0xFFFFFFFF  }
0xad: {  	[dreg:$0x0] =	wrdreg $0x60  }
0xae: {  	[dreg:$0x2] =	wrdreg s2  }
0xaf: {  	[dreg:$0x3] =	wrdreg s24  }
0xb0: {  	[dreg:$0x4] =	wrdreg $0x94000  }
0xb1: {  	[dreg:$0x5] =	wrdreg $0x9  }
0xb2: {  	_ =	task.clear_ibuf [dreg:s7], $0x6FFFF;
	_ =	strace $0x90000046  }
0xb3: {  	s29 =	simm.s32 $0x9;
	_ =	strace $0x80000048  }
0xb4: {  	_ =	swait.ge [sflag:s29], $0x1  }
0xb5: {  	[sflag:s29] =	ssyncadd.s32 $0xFFFFFFFF  }
0xb6: {  	_ =	strace $0x90000048  }
0xb7: {  	_ =	sfence  }
0xb8: {  	s30 =	sld [smem:$0x0];
	_ =	sdelay $0x2  }
0xb9: {  	s31 =	sshll.u32 s1, $0xD;
	s1 =	sshrl.u32 s1, $0x2  }
0xba: {  	s3 =	sand.u32 $0x4000, s31;
	s1 =	sadd.s32 s1, s30  }
0xbb: {  	s0 =	sor.u32 s3, s0;
	s1 =	sshll.u32 s1, $0x11  }
0xbc: {  	s0 =	sor.u32 s1, s0  }
0xbd: {  	s0 =	sadd.s32 $0x8F2B, s0  }
0xbe: {  	[sflag:s0] =	ssyncadd.remote.s32 $0x1  }
0xbf: {  	_ =	sfence.sel $0xFFFF  }
0xc0: {  	[dreg:$0x0] =	wrdreg $0xFFFFFFFF;
	(pc) =	sbr.abs _section_cstart, $3  }
0xc1: {  	[dreg:$0x1] =	wrdreg $0xFFFFFFFF  }
0xc2: {  	_ =	task.clear_ibuf [dreg:s7], $0x2FFFF;
	_ =	strace $0x9FFFFFFF  }
0xc3: {  	(tm) =	ssettm $0x7FFFFFFF  }
tec
execute0_lowered:
.L_overlay_start_1:
0x0: {  	(tag) =	ssettag $0x1  }
0x1: {  	s6 =	rddreg [dreg:$0x0]  }
0x2: {  	s1 =	srdreg.scid;
	s4 =	rddreg [dreg:$0x1]  }
0x3: {  	s0 =	stileid.u32;
	s2 =	rddreg [dreg:$0x2]  }
0x4: {  	s3 =	simm.s32 $0x0;
	s18 =	simm.s32 $0x5400;
	s19 =	simm.s32 $0x1  }
0x5: {  	s20 =	simm.s32 $0x2;
	s21 =	simm.s32 $0x1380;
	s22 =	simm.s32 $0x0  }
0x6: {  	s10 =	sand.u32 $0x1, s1;
	s1 =	rddreg [dreg:$0x3];
	s9 =	smul.u32 $0x13800, s0  }
0x7: {  	s24 =	sshll.u32 s0, $0x1;
	[smem:$0x7FF] =	sst s3;
	s29 =	smul.u32 $0x50, s0  }
0x8: {  	s12 =	sadd.s32 $0x9400, s4;
	s28 =	sshll.u32 s0, $0x6;
	s31 =	smul.u32 $0x28000, s0  }
0x9: {  	s15 =	sadd.s32 $0x138000, s2;
	p0 =	sne.s32 s0, $0xF;
	s14 =	smul.u32 $0x28, s10  }
0xa: {  	s7 =	sor.u32 s10, s24;
	s8 =	ssub.s32 $0x2, s10;
	s17 =	smul.u32 $0x14000, s10  }
0xb: {  	_ =	strace $0x80000047;
	s15 =	sshrl.u32 @!p0 s15, $0x3;
	s5 =	smul.u32 $0x280, s7  }
0xc: {  	s25 =	sshrl.u32 s8, $0x1;
	s13 =	sadd.s32 s9, s2;
	s26 =	sshrl.u32 s9, $0x3  }
0xd: {  	s16 =	smul.u32 $0x14000, s7;
	s8 =	ssub.s32 s8, s25;
	s9 =	sadd.s32 s14, s29  }
0xe: {  	s13 =	sshrl.u32 s13, $0x3;
	s11 =	sadd.s32 s5, s4;
	s4 =	sadd.s32 s6, s26  }
0xf: {  	s5 =	sor.u32 $0x1C03, s28;
	s6 =	sadd.s32 $0x27000, s6;
	s8 =	smax.u32 s8, $0x1  }
0x10: {  	s30 =	sadd.s32 s12, s16;
	s14 =	sshll.u32 s9, $0xB;
	s16 =	simm.s32 $0x1400  }
0x11: {  	s7 =	sadd.s32 $0x4400, s11;
	s9 =	sadd.s32 $0x13000, s30;
	s14 =	sadd.s32 s14, s12  }
0x12: {  	s10 =	sadd.s32 $0x13800, s30;
	s12 =	sadd.s32 s31, s12;
	s11 =	sadd.s32 $0x800, s14  }
0x13: {  	s12 =	sadd.s32 s17, s12;
	s14 =	simm.s32 $0x3;
	s17 =	simm.s32 $0x80  }
.LBB2_1:
0x14: {  	[spmem:s13], [sflag:s5] =	dma.local [hbm:s4], $0x2700  }
0x15: {  	_ =	swait.ge [sflag:s14], $0x2700  }
0x16: {  	[sflag:s14] =	ssyncset.done $0x0  }
0x17: {  	s23 =	simm.s32 @!p0 $0x3;
	[sflag:s14] =	ssyncadd.s32 $0xFFFFD900  }
0x18: {  	[spmem:s15], [sflag:s5] =	dma.local @!p0 [hbm:s6], $0x100  }
0x19: {  	_ =	swait.ge @!p0 [sflag:s23], $0x100  }
0x1a: {  	[sflag:s23] =	ssyncset.done @!p0 $0x0  }
0x1b: {  	[sflag:s23] =	ssyncadd.s32 @!p0 $0xFFFFFF00  }
0x1c: {  	[tilespmem:s3], [sflag:$0x3] =	stream.linear.gather [hbm4b:s7+s3], $0x1400, $0x38;
	[tilespmem:$0x1CC80] =	vst v63  }
0x1d: {  	_ =	swait.ge [sflag:s14], $0x1400  }
0x1e: {  	[sflag:s14] =	ssyncset.done $0x0  }
0x1f: {  	[sflag:s14] =	ssyncadd.s32 $0xFFFFEC00  }
0x20: {  	[bflag:$0x0] =	sbarrier.arrive $0xFFFF  }
0x21: {  	[tilespmem:s16], [sflag:$0x1] =	stream.indirect.gather [spmem:s2], $0x80, s3, s17, $0xb8;
	[tilespmem:$0x1CC80] =	vst v63  }
0x22: {  	_ = 	snop  }
0x23: {  	[tilespmem:s18], [sflag:$0x2] =	stream.indirect.gather [spmem:s2], $0x80, s17, s17, $0xb8;
	[tilespmem:$0x1CC80] =	vst v63  }
0x24: {  	_ =	swait.ge [sflag:s19], $0x4000  }
0x25: {  	[sflag:s19] =	ssyncset.done $0x0  }
0x26: {  	s29 =	sadd.s32 $0x0, s12;
	[sflag:s19] =	ssyncadd.s32 $0xFFFFC000  }
0x27: {  	[hbm4b:s29+s3] =	stream.linear.scatter [tilespmem:s16], [sflag:$0x3], $0x4000, $0x38;
	[tilespmem:$0x1CC80] =	vst v63  }
0x28: {  	_ =	swait.ge [sflag:s14], $0x4000  }
0x29: {  	[sflag:s14] =	ssyncset.done $0x0  }
0x2a: {  	s30 =	simm.s32 $0x100;
	[sflag:s14] =	ssyncadd.s32 $0xFFFFC000  }
0x2b: {  	[tilespmem:s16], [sflag:$0x1] =	stream.indirect.gather [spmem:s2], $0x80, s30, s17, $0xb8;
	[tilespmem:$0x1CC80] =	vst v63  }
0x2c: {  	_ =	swait.ge [sflag:s20], $0x4000  }
0x2d: {  	[sflag:s20] =	ssyncset.done $0x0  }
0x2e: {  	s31 =	sadd.s32 $0x0, s11;
	[sflag:s20] =	ssyncadd.s32 $0xFFFFC000  }
0x2f: {  	[hbm4b:s31+s3] =	stream.linear.scatter [tilespmem:s18], [sflag:$0x3], $0x4000, $0x38;
	[tilespmem:$0x1CC80] =	vst v63  }
0x30: {  	_ =	swait.ge [sflag:s14], $0x4000  }
0x31: {  	s24 =	simm.s32 $0x80;
	s23 =	simm.s32 $0x1000;
	[sflag:s14] =	ssyncset.done $0x0  }
.LBB2_2:
0x32: {  	p1 =	sne.s32 s23, $0x12000;
	[sflag:s14] =	ssyncadd.s32 $0xFFFFC000;
	s24 =	sadd.s32 $0x100, s24  }
0x33: {  	[tilespmem:s18], [sflag:$0x2] =	stream.indirect.gather [spmem:s2], $0x80, s24, s17, $0xb8;
	[tilespmem:$0x1CC80] =	vst v63  }
0x34: {  	s25 =	smov.u32 s23;
	s23 =	sadd.s32 $0x1000, s23;
	_ =	swait.ge [sflag:s19], $0x4000  }
0x35: {  	[sflag:s19] =	ssyncset.done $0x0  }
0x36: {  	s26 =	sadd.s32 s25, s12;
	[sflag:s19] =	ssyncadd.s32 $0xFFFFC000  }
0x37: {  	[hbm4b:s26+s3] =	stream.linear.scatter [tilespmem:s16], [sflag:$0x3], $0x4000, $0x38;
	[tilespmem:$0x1CC80] =	vst v63  }
0x38: {  	_ =	swait.ge [sflag:s14], $0x4000  }
0x39: {  	[sflag:s14] =	ssyncset.done $0x0  }
0x3a: {  	s26 =	sadd.s32 $0x80, s24;
	[sflag:s14] =	ssyncadd.s32 $0xFFFFC000  }
0x3b: {  	[tilespmem:s16], [sflag:$0x1] =	stream.indirect.gather [spmem:s2], $0x80, s26, s17, $0xb8;
	[tilespmem:$0x1CC80] =	vst v63  }
0x3c: {  	_ =	swait.ge [sflag:s20], $0x4000  }
.Ltmp0:
0x3d: {  	[sflag:s20] =	ssyncset.done $0x0;
	(pc) =	sbr.rel @p1 .LBB2_2-.Ltmp0, $4  }
0x3e: {  	s25 =	sadd.s32 s25, s11;
	[sflag:s20] =	ssyncadd.s32 $0xFFFFC000  }
0x3f: {  	[hbm4b:s25+s3] =	stream.linear.scatter [tilespmem:s18], [sflag:$0x3], $0x4000, $0x38;
	[tilespmem:$0x1CC80] =	vst v63  }
0x40: {  	_ =	swait.ge [sflag:s14], $0x4000  }
0x41: {  	[sflag:s14] =	ssyncset.done $0x0  }
0x42: {  	[sflag:s14] =	ssyncadd.s32 $0xFFFFC000  }
0x43: {  	[tilespmem:s18], [sflag:$0x2] =	stream.indirect.gather [spmem:s2], $0x80, s21, s17, $0xb8;
	[tilespmem:$0x1CC80] =	vst v63  }
0x44: {  	_ =	swait.ge [sflag:s19], $0x4000  }
0x45: {  	[sflag:s19] =	ssyncset.done $0x0  }
0x46: {  	[sflag:s19] =	ssyncadd.s32 $0xFFFFC000  }
0x47: {  	[hbm4b:s9+s3] =	stream.linear.scatter [tilespmem:s16], [sflag:$0x3], $0x4000, $0x38;
	[tilespmem:$0x1CC80] =	vst v63  }
0x48: {  	_ =	swait.ge [sflag:s14], $0x4000  }
0x49: {  	[sflag:s14] =	ssyncset.done $0x0  }
0x4a: {  	[sflag:s14] =	ssyncadd.s32 $0xFFFFC000  }
0x4b: {  	s22 =	sadd.s32 $0x1, s22;
	_ =	swait.ge [sflag:s20], $0x4000  }
0x4c: {  	p1 =	sne.s32 s22, s8;
	[sflag:s20] =	ssyncset.done $0x0  }
.Ltmp1:
0x4d: {  	[sflag:s20] =	ssyncadd.s32 $0xFFFFC000;
	(pc) =	sbr.rel @p1 .LBB2_1-.Ltmp1, $4  }
0x4e: {  	[hbm4b:s10+s3] =	stream.linear.scatter [tilespmem:s18], [sflag:$0x3], $0x4000, $0x38;
	[tilespmem:$0x1CC80] =	vst v63  }
0x4f: {  	_ =	swait.ge [sflag:s14], $0x4000  }
0x50: {  	[sflag:s14] =	ssyncset.done $0x0  }
0x51: {  	[sflag:s14] =	ssyncadd.s32 $0xFFFFC000  }
0x52: {  	_ =	sfence.sel $0x180000  }
0x53: {  	[bflag:$0x0] =	sbarrier.arrive $0xFFFF  }
0x54: {  	p0 =	sne.s32 s0, $0x0;
	_ =	strace $0x90000047  }
0x55: {  	s0 =	sadd.s32 @!p0 $0x100000, s1;
	[bflag:$0x2] =	sbarrier.arrive $0xFFFF  }
0x56: {  	[sflag:s0] =	ssyncadd.tile.s32 @!p0 $0x1;
	_ =	shalt  }
.Lfunc_end2:
_tile_overlayer_lowered:
.L_overlay_start_2:
0x57: {  	(tag) =	ssettag $0x2  }
0x58: {  	s0 =	rddreg [dreg:$0x0];
	s2 =	stileid.u32  }
0x59: {  	s1 =	rddreg [dreg:$0x1];
	p0 =	sne.s32 s2, $0x0  }
0x5a: {  	s3 =	rddreg [dreg:$0x2];
	[bflag:$0x3] =	sbarrier.arrive $0xFFFF;
	s2 =	simm.s32 @!p0 $0x1C03  }
0x5b: {  	[timem:s3], [sflag:s2] =	dma.local @!p0 [hbm:s0], s1  }
0x5c: {  	s0 =	simm.s32 @!p0 $0x3  }
0x5d: {  	_ =	swait.ge @!p0 [sflag:s0], s1  }
0x5e: {  	s1 =	ssub.s32 @!p0 $0x0, s1;
	[sflag:s0] =	ssyncset.done @!p0 $0x0  }
0x5f: {  	[sflag:s0] =	ssyncadd.s32 @!p0 s1  }
0x60: {  	[bflag:$0x3] =	sbarrier.arrive $0xFFFF  }
0x61: {  	_ =	shalt  }

// kernel: kernel.13.cloned.1.call-start
scs
__scs_entry_jumppad:
0x0: {  	(pc) =	sbr.rel $0x88, $3  }
0x1: {  	(tag) =	ssettag $0x0;
	lr =	simm.s32 $0x1  }
0x2: {  	[smem:$0x3F90] =	sst lr;
	_ =	strace $0xD0000000  }
0x3: {  	_ = 	snop  }
0x4: {  	_ = 	snop  }
0x5: {  	_ = 	snop  }
0x6: {  	_ = 	snop  }
0x7: {  	_ = 	snop  }
__scs_overlays_trampoline_lowered:
0x8: {  	[smem:$0x3F9F] =	sst s0  }
0x9: {  	[smem:$0x3FA0] =	sst s1  }
0xa: {  	[smem:$0x3FA1] =	sst s2  }
0xb: {  	[smem:$0x3FA2] =	sst s3  }
0xc: {  	[smem:$0x3FA3] =	sst s4  }
0xd: {  	[smem:$0x3FA4] =	sst s5  }
0xe: {  	[smem:$0x3FA5] =	sst s6  }
0xf: {  	[smem:$0x3FA6] =	sst s7  }
0x10: {  	[smem:$0x3FA7] =	sst s8  }
0x11: {  	[smem:$0x3FA8] =	sst s9;
	s0 =	simm.s32 @!p0 $0x0  }
0x12: {  	s1 =	sld [smem:$0x3F8E];
	s0 =	simm.s32 @p0 $0x1  }
0x13: {  	[smem:$0x3FA9] =	sst s0;
	s0 =	simm.s32 @!p1 $0x0  }
0x14: {  	s2 =	sld [smem:$0x3F8D];
	s0 =	simm.s32 @p1 $0x1  }
0x15: {  	[smem:$0x3FAA] =	sst s0;
	s0 =	simm.s32 @!p2 $0x0  }
0x16: {  	s3 =	sld [smem:$0x3FDB];
	s0 =	simm.s32 @p2 $0x1  }
0x17: {  	s4 =	simm.s32 $0x1BF5;
	[smem:$0x3FAC] =	sst s0  }
0x18: {  	s0 =	sld [smem:$0x3F8F];
	_ =	swait.ge [sflag:s4], $0x0  }
0x19: {  	s7 =	sld [smem:$0x3F90]  }
0x1a: {  	s8 =	sadd.s32 $0xFFFFE003, lr  }
0x1b: {  	s9 =	sadd.s32 $0xFFFFFEF7, lr;
	s5 =	simm.s32 $0xFFFFFFFF;
	p2 =	slt.u32 s8, $0xFFFFF086  }
0x1c: {  	p1 =	slt.u32 s9, $0xF7A;
	s5 =	simm.s32 @!p2 $0x0  }
0x1d: {  	s5 =	simm.s32 @p1 $0x1;
	p0 =	seq.s32 s7, s2  }
0x1e: {  	s7 =	smul.u32 @!p0 $0xF7A, s2;
	p2 =	seq.s32 @!p0 s5, $0x0  }
0x1f: {  	s9 =	smul.u32 $0xF7A, s1;
	s8 =	simm.s32 @!p0 $0x1BF5;
	p2 =	por !p2, p0  }
0x20: {  	[sflag:s8] =	ssyncset.s32 @!p0 $0xFFFFF086;
	s6 =	sadd.s32 @!p0 s3, s7;
	s7 =	simm.s32 @!p0 $0x108  }
0x21: {  	s3 =	sadd.s32 s3, s9;
	s6 =	sadd.s32 @!p0 $0x88, s6;
	s7 =	simm.s32 @p2 $0x1082  }
0x22: {  	[simem:s7], [sflag:s8] =	dma.local @!p0 [hbm:s6], $0xF7A  }
0x23: {  	s9 =	sor.u32 $0xD0000000, s2;
	s6 =	simm.s32 $0x108;
	_ =	swait.ge @!p0 [sflag:s8], $0x0  }
0x24: {  	s3 =	sadd.s32 $0x88, s3;
	s6 =	simm.s32 @!p1 $0x1082;
	[sflag:s4] =	ssyncset.s32 $0xFFFFF086  }
0x25: {  	[simem:s6], [sflag:s4] =	dma.local [hbm:s3], $0xF7A  }
0x26: {  	[smem:$0x3F90] =	sst s1;
	(tag) =	ssettag s2;
	_ =	strace s9  }
0x27: {  	s1 =	sld [smem:$0x3FA0]  }
0x28: {  	s2 =	sld [smem:$0x3FA1]  }
0x29: {  	s4 =	sld [smem:$0x3FA3]  }
0x2a: {  	p0 =	seq.s32 s5, $0x0;
	s5 =	sld [smem:$0x3FA4]  }
0x2b: {  	s6 =	sld [smem:$0x3FA5]  }
0x2c: {  	s7 =	sld [smem:$0x3FA6]  }
0x2d: {  	s3 =	simm.s32 $0x108;
	s8 =	sld [smem:$0x3FA7]  }
0x2e: {  	s3 =	simm.s32 @!p0 $0x1082;
	s9 =	sld [smem:$0x3FA8]  }
0x2f: {  	lr =	sadd.s32 s0, s3;
	s0 =	sld [smem:$0x3F9F]  }
0x30: {  	s3 =	sld [smem:$0x3FA2]  }
0x31: {  	[smem:$0x3FAB] =	sst s10  }
0x32: {  	s10 =	sld [smem:$0x3FA9];
	_ =	sdelay $0x3  }
0x33: {  	p0 =	seq.s32 s10, $0x1;
	s10 =	sld [smem:$0x3FAB];
	_ =	sdelay $0x3  }
0x34: {  	[smem:$0x3FAB] =	sst s10  }
0x35: {  	s10 =	sld [smem:$0x3FAA];
	_ =	sdelay $0x3  }
0x36: {  	p1 =	seq.s32 s10, $0x1;
	s10 =	sld [smem:$0x3FAB];
	_ =	sdelay $0x3  }
0x37: {  	[smem:$0x3FAB] =	sst s10  }
0x38: {  	s10 =	sld [smem:$0x3FAC]  }
0x39: {  	_ = 	snop;
	(pc) =	sbr.ind lr, $3  }
0x3a: {  	_ = 	snop  }
0x3b: {  	_ = 	snop  }
0x3c: {  	p2 =	seq.s32 s10, $0x1;
	s10 =	sld [smem:$0x3FAB]  }
0x3d: {  	_ =	shalt  }
0x3e: {  	_ =	shalt  }
0x3f: {  	_ =	shalt  }
0x40: {  	_ =	shalt  }
0x41: {  	_ =	shalt  }
0x42: {  	_ =	shalt  }
0x43: {  	_ =	shalt  }
0x44: {  	_ =	shalt  }
0x45: {  	_ =	shalt  }
0x46: {  	_ =	shalt  }
0x47: {  	_ =	shalt  }
0x48: {  	_ =	shalt  }
0x49: {  	_ =	shalt  }
0x4a: {  	_ =	shalt  }
0x4b: {  	_ =	shalt  }
0x4c: {  	_ =	shalt  }
0x4d: {  	_ =	shalt  }
0x4e: {  	_ =	shalt  }
0x4f: {  	_ =	shalt  }
0x50: {  	_ =	shalt  }
0x51: {  	_ =	shalt  }
0x52: {  	_ =	shalt  }
0x53: {  	_ =	shalt  }
0x54: {  	_ =	shalt  }
0x55: {  	_ =	shalt  }
0x56: {  	_ =	shalt  }
0x57: {  	_ =	shalt  }
0x58: {  	_ =	shalt  }
0x59: {  	_ =	shalt  }
0x5a: {  	_ =	shalt  }
0x5b: {  	_ =	shalt  }
0x5c: {  	_ =	shalt  }
0x5d: {  	_ =	shalt  }
0x5e: {  	_ =	shalt  }
0x5f: {  	_ =	shalt  }
0x60: {  	_ =	shalt  }
0x61: {  	_ =	shalt  }
0x62: {  	_ =	shalt  }
0x63: {  	_ =	shalt  }
0x64: {  	_ =	shalt  }
0x65: {  	_ =	shalt  }
0x66: {  	_ =	shalt  }
0x67: {  	_ =	shalt  }
0x68: {  	_ =	shalt  }
0x69: {  	_ =	shalt  }
0x6a: {  	_ =	shalt  }
0x6b: {  	_ =	shalt  }
0x6c: {  	_ =	shalt  }
0x6d: {  	_ =	shalt  }
0x6e: {  	_ =	shalt  }
0x6f: {  	_ =	shalt  }
0x70: {  	_ =	shalt  }
0x71: {  	_ =	shalt  }
0x72: {  	_ =	shalt  }
0x73: {  	_ =	shalt  }
0x74: {  	_ =	shalt  }
0x75: {  	_ =	shalt  }
0x76: {  	_ =	shalt  }
0x77: {  	_ =	shalt  }
0x78: {  	_ =	shalt  }
0x79: {  	_ =	shalt  }
0x7a: {  	_ =	shalt  }
0x7b: {  	_ =	shalt  }
0x7c: {  	_ =	shalt  }
0x7d: {  	_ =	shalt  }
0x7e: {  	_ =	shalt  }
0x7f: {  	_ =	shalt  }
0x80: {  	_ =	shalt  }
0x81: {  	_ =	shalt  }
0x82: {  	_ =	shalt  }
0x83: {  	_ =	shalt  }
0x84: {  	_ =	shalt  }
0x85: {  	_ =	shalt  }
0x86: {  	_ =	shalt  }
0x87: {  	_ =	shalt  }
.Lfunc_end0:
.L_simem_size_0:
called_computation.1_lowered:
.L_overlay_start_0:
0x88: {  	s2 =	sld [smem:$0x3FD9]  }
0x89: {  	s3 =	sld [smem:$0x3FFE];
	_ =	sdelay $0x1  }
0x8a: {  	s1 =	srdreg.scid  }
0x8b: {  	s0 =	sand.u32 $0x1, s1  }
0x8c: {  	s16 =	sshll.u32 s0, $0xA;
	s2 =	sadd.s32 s3, s2  }
0x8d: {  	s2 =	sadd.s32 s2, s16  }
0x8e: {  	[smem:$0x3FB7] =	sst s2  }
0x8f: {  	_ = 	snop  }
0x90: {  	(tm) =	ssettm $0x1  }
0x91: {  	s17 =	sld [smem:$0x3FFB];
	_ =	sdelay $0x3  }
0x92: {  	_ =	strace s17  }
0x93: {  	s2 =	sld [smem:$0x3FFC];
	_ =	sdelay $0x3  }
0x94: {  	_ =	strace s2  }
0x95: {  	s2 =	sld [smem:$0x3FFD];
	_ =	sdelay $0x3  }
0x96: {  	_ =	strace s2  }
0x97: {  	_ =	strace $0x8FFFFFFF  }
0x98: {  	s18 =	sld [smem:$0x3FDB];
	_ =	sdelay $0x1  }
0x99: {  	s19 =	simm.s32 $_scs_section_size  }
0x9a: {  	s4 =	simm.s32 $_size__tile_overlayer_lowered;
	s5 =	simm.s32 $_tile_overlayer_lowered  }
0x9b: {  	s22 =	simm.s32 $0x1BFF;
	s21 =	sshll.u32 s5, $0x1;
	s2 =	sadd.s32 s19, s18  }
0x9c: {  	s6 =	simm.s32 $0x0;
	s20 =	sshll.u32 s4, $0x1;
	s4 =	sadd.s32 s21, s2  }
0x9d: {  	[timem:s6], [sflag:s22] =	dma.local [hbm:s4], s20  }
0x9e: {  	_ =	swait.ge [sflag:s22], s20  }
0x9f: {  	s3 =	ssub.s32 $0x0, s20;
	[sflag:s22] =	ssyncset.done $0x0  }
0xa0: {  	[sflag:s22] =	ssyncadd.s32 s3;
	_ =	sdelay $0x1  }
0xa1: {  	s23 =	simm.s32 $0x1B8B  }
0xa2: {  	_ =	swait.ge [sflag:s23], $0x1  }
0xa3: {  	[sflag:s23] =	ssyncset.done $0x0  }
0xa4: {  	s25 =	simm.s32 $0x1B8E;
	s24 =	sld [smem:$0x3FFE];
	[sflag:s23] =	ssyncadd.s32 $0xFFFFFFFF  }
0xa5: {  	s26 =	simm.s32 $execute0_lowered;
	[smem:$0x3FD2] =	sst s25  }
0xa6: {  	s4 =	sshll.u32 s26, $0x1;
	_ =	strace $0x80000049;
	[dreg:$0x1] =	wrdreg $0xFFFFFFFF  }
0xa7: {  	s28 =	simm.s32 $_size_execute0_lowered;
	s2 =	sadd.s32 s2, s4;
	[dreg:$0x0] =	wrdreg $0x0  }
0xa8: {  	s4 =	sshll.u32 s28, $0x1;
	[dreg:$0x2] =	wrdreg s2  }
0xa9: {  	[dreg:$0x3] =	wrdreg s4  }
0xaa: {  	[dreg:$0x4] =	wrdreg $0xC0  }
0xab: {  	_ =	task [dreg:s6], $0x5FFFF  }
0xac: {  	[dreg:$0x1] =	wrdreg $0xFFFFFFFF  }
0xad: {  	[dreg:$0x0] =	wrdreg $0x60  }
0xae: {  	[dreg:$0x2] =	wrdreg s24  }
0xaf: {  	[dreg:$0x3] =	wrdreg $0x34000  }
0xb0: {  	[dreg:$0x4] =	wrdreg $0x9  }
0xb1: {  	_ =	task.clear_ibuf [dreg:s6], $0x5FFFF;
	_ =	strace $0x90000049  }
0xb2: {  	s29 =	simm.s32 $0x9;
	_ =	strace $0x8000004B  }
0xb3: {  	_ =	swait.ge [sflag:s29], $0x1  }
0xb4: {  	[sflag:s29] =	ssyncadd.s32 $0xFFFFFFFF  }
0xb5: {  	_ =	strace $0x9000004B  }
0xb6: {  	_ =	sfence  }
0xb7: {  	s30 =	sld [smem:$0x0];
	_ =	sdelay $0x2  }
0xb8: {  	s31 =	sshll.u32 s1, $0xD;
	s1 =	sshrl.u32 s1, $0x2  }
0xb9: {  	s3 =	sand.u32 $0x4000, s31;
	s1 =	sadd.s32 s1, s30  }
0xba: {  	s0 =	sor.u32 s3, s0;
	s1 =	sshll.u32 s1, $0x11  }
0xbb: {  	s0 =	sor.u32 s1, s0  }
0xbc: {  	s0 =	sadd.s32 $0x8F2B, s0  }
0xbd: {  	[sflag:s0] =	ssyncadd.remote.s32 $0x1  }
0xbe: {  	_ =	sfence.sel $0xFFFF  }
0xbf: {  	[dreg:$0x0] =	wrdreg $0xFFFFFFFF;
	(pc) =	sbr.abs _section_cstart, $3  }
0xc0: {  	[dreg:$0x1] =	wrdreg $0xFFFFFFFF  }
0xc1: {  	_ =	task.clear_ibuf [dreg:s6], $0x2FFFF;
	_ =	strace $0x9FFFFFFF  }
0xc2: {  	(tm) =	ssettm $0x7FFFFFFF  }
0xc3: {  	_ =	shalt  }
tec
execute0_lowered:
.L_overlay_start_1:
0x0: {  	(tag) =	ssettag $0x1  }
0x1: {  	s4 =	rddreg [dreg:$0x0]  }
0x2: {  	s2 =	rddreg [dreg:$0x1];
	s3 =	srdreg.scid  }
0x3: {  	s1 =	stileid.u32;
	s15 =	simm.s32 $0x4;
	s16 =	simm.s32 $0x10  }
0x4: {  	s17 =	simm.s32 $0x3;
	s18 =	simm.s32 $0x20;
	s19 =	simm.s32 $0x80  }
0x5: {  	s20 =	simm.s32 $0x1400;
	s21 =	simm.s32 $0x2400;
	s22 =	simm.s32 $0x2  }
0x6: {  	s23 =	simm.s32 $0x1300;
	s24 =	simm.s32 $0x1380;
	s5 =	sand.u32 $0x1, s3  }
0x7: {  	s6 =	sshll.u32 s1, $0x1;
	s7 =	smul.u32 $0x13C00, s1;
	s3 =	simm.s32 $0x0  }
0x8: {  	s11 =	sadd.s32 $0x3C6C00, s4;
	s13 =	smul.u32 $0x50, s1;
	s28 =	sshll.u32 s1, $0x6  }
0x9: {  	s6 =	sor.u32 s5, s6;
	s8 =	smul.u32 $0x13C000, s5;
	[smem:$0x7FF] =	sst s3  }
0xa: {  	s25 =	ssub.s32 $0x2, s5;
	s26 =	smul.u32 $0x28, s5;
	s5 =	sor.u32 $0x1C03, s28  }
0xb: {  	s9 =	smul.u32 $0x280, s6;
	_ =	strace $0x8000004A;
	s10 =	sshrl.u32 s7, $0x3  }
0xc: {  	s12 =	sshrl.u32 s25, $0x1;
	s29 =	smul.u32 $0x14000, s6;
	s8 =	sadd.s32 s7, s8  }
0xd: {  	s10 =	sadd.s32 s10, s4;
	s7 =	sshrl.u32 s7, $0x2;
	s12 =	ssub.s32 s25, s12  }
0xe: {  	s30 =	sadd.s32 s26, s13;
	s25 =	simm.s32 $0x0;
	s9 =	sadd.s32 s9, s4  }
0xf: {  	s8 =	sshrl.u32 s8, $0x3;
	s14 =	sadd.s32 s7, s2;
	s7 =	sadd.s32 s11, s29  }
0x10: {  	s13 =	sshll.u32 s30, $0xB;
	s8 =	sadd.s32 s8, s4;
	s4 =	sadd.s32 $0x9400, s10  }
0x11: {  	s6 =	sadd.s32 $0x3C1C00, s9;
	s9 =	smax.u32 s12, $0x1;
	s10 =	sadd.s32 $0x13800, s7  }
0x12: {  	s31 =	sadd.s32 s13, s11;
	s13 =	sshrl.u32 s14, $0x3;
	s14 =	simm.s32 $0x1  }
0x13: {  	s8 =	sadd.s32 $0x30C00, s8;
	s11 =	sadd.s32 $0x1000, s31;
	s12 =	sadd.s32 $0x800, s31  }
.LBB2_1:
0x14: {  	[spmem:s13@s15], [sflag:s5] =	dma.strided [hbm:s4@s16], $0x9E0, s14, $0x4   }
0x15: {  	_ =	swait.ge [sflag:s17], $0x9E0  }
0x16: {  	[sflag:s17] =	ssyncset.done $0x0  }
0x17: {  	[sflag:s17] =	ssyncadd.s32 $0xFFFFF620  }
0x18: {  	[tilespmem:s3], [sflag:$0x3] =	stream.linear.gather [hbm4b:s6+s3], $0x1400, $0x38;
	[tilespmem:$0x8300] =	vst v63  }
0x19: {  	_ =	swait.ge [sflag:s17], $0x1400  }
0x1a: {  	[sflag:s17] =	ssyncset.done $0x0  }
0x1b: {  	[sflag:s17] =	ssyncadd.s32 $0xFFFFEC00  }
0x1c: {  	[bflag:$0x0] =	sbarrier.arrive $0xFFFF  }
0x1d: {  	[tilespmem:s20], [sflag:$0x1] =	stream.strided.gather [hbm4b:s7+s18], $0x1000, s19, s18, $0x38;
	[tilespmem:$0x8300] =	vst v63  }
0x1e: {  	s26 =	sadd.s32 $0x0, s12  }
0x1f: {  	[tilespmem:s21], [sflag:$0x2] =	stream.strided.gather [hbm4b:s26+s18], $0x1000, s19, s18, $0x38;
	[tilespmem:$0x8300] =	vst v63  }
0x20: {  	_ =	swait.ge [sflag:s14], $0x1000  }
0x21: {  	[sflag:s14] =	ssyncset.done $0x0  }
0x22: {  	[sflag:s14] =	ssyncadd.s32 $0xFFFFF000  }
0x23: {  	[spmem:s2] =	stream.indirect.scatter.add.f32 [tilespmem:s20], [sflag:$0x3], $0x20, s3, s19, $0xb8;
	[tilespmem:$0x8300] =	vst v63  }
0x24: {  	_ =	swait.ge [sflag:s17], $0x1000  }
0x25: {  	[sflag:s17] =	ssyncset.done $0x0  }
0x26: {  	s30 =	sadd.s32 $0x0, s11;
	[sflag:s17] =	ssyncadd.s32 $0xFFFFF000  }
0x27: {  	[tilespmem:s20], [sflag:$0x1] =	stream.strided.gather [hbm4b:s30+s18], $0x1000, s19, s18, $0x38;
	[tilespmem:$0x8300] =	vst v63  }
0x28: {  	_ =	swait.ge [sflag:s22], $0x1000  }
0x29: {  	[sflag:s22] =	ssyncset.done $0x0  }
0x2a: {  	s31 =	simm.s32 $0x80;
	[sflag:s22] =	ssyncadd.s32 $0xFFFFF000  }
0x2b: {  	[spmem:s2] =	stream.indirect.scatter.add.f32 [tilespmem:s21], [sflag:$0x3], $0x20, s31, s19, $0xb8;
	[tilespmem:$0x8300] =	vst v63  }
0x2c: {  	s28 =	simm.s32 $0x1000;
	_ =	swait.ge [sflag:s17], $0x1000  }
0x2d: {  	s29 =	simm.s32 $0x2000;
	s26 =	simm.s32 $0x100;
	[sflag:s17] =	ssyncset.done $0x0  }
.LBB2_2:
0x2e: {  	s30 =	sadd.s32 s28, s12  }
0x2f: {  	[sflag:s17] =	ssyncadd.s32 $0xFFFFF000;
	s31 =	smov.u32 s29;
	s0 =	sadd.s32 $0x1000, s29  }
0x30: {  	[tilespmem:s21], [sflag:$0x2] =	stream.strided.gather [hbm4b:s30+s18], $0x1000, s19, s18, $0x38;
	[tilespmem:$0x8300] =	vst v63  }
0x31: {  	p0 =	sne.s32 s29, $0x12000;
	_ =	swait.ge [sflag:s14], $0x1000  }
0x32: {  	[sflag:s14] =	ssyncset.done $0x0  }
0x33: {  	[sflag:s14] =	ssyncadd.s32 $0xFFFFF000  }
0x34: {  	[spmem:s2] =	stream.indirect.scatter.add.f32 [tilespmem:s20], [sflag:$0x3], $0x20, s26, s19, $0xb8;
	[tilespmem:$0x8300] =	vst v63  }
0x35: {  	_ =	swait.ge [sflag:s17], $0x1000  }
0x36: {  	[sflag:s17] =	ssyncset.done $0x0  }
0x37: {  	s29 =	sadd.s32 s28, s11;
	s28 =	smov.u32 s31;
	[sflag:s17] =	ssyncadd.s32 $0xFFFFF000  }
0x38: {  	[tilespmem:s20], [sflag:$0x1] =	stream.strided.gather [hbm4b:s29+s18], $0x1000, s19, s18, $0x38;
	[tilespmem:$0x8300] =	vst v63  }
0x39: {  	_ =	swait.ge [sflag:s22], $0x1000  }
.Ltmp0:
0x3a: {  	[sflag:s22] =	ssyncset.done $0x0;
	(pc) =	sbr.rel @p0 .LBB2_2-.Ltmp0, $4  }
0x3b: {  	s29 =	sadd.s32 $0x80, s26;
	[sflag:s22] =	ssyncadd.s32 $0xFFFFF000  }
0x3c: {  	[spmem:s2] =	stream.indirect.scatter.add.f32 [tilespmem:s21], [sflag:$0x3], $0x20, s29, s19, $0xb8;
	[tilespmem:$0x8300] =	vst v63  }
0x3d: {  	_ =	swait.ge [sflag:s17], $0x1000  }
0x3e: {  	s26 =	sadd.s32 $0x100, s26;
	s29 =	smov.u32 s0;
	[sflag:s17] =	ssyncset.done $0x0  }
0x3f: {  	s0 =	sadd.s32 s28, s12;
	[sflag:s17] =	ssyncadd.s32 $0xFFFFF000  }
0x40: {  	[tilespmem:s21], [sflag:$0x2] =	stream.strided.gather [hbm4b:s0+s18], $0x1000, s19, s18, $0x38;
	[tilespmem:$0x8300] =	vst v63  }
0x41: {  	_ =	swait.ge [sflag:s14], $0x1000  }
0x42: {  	[sflag:s14] =	ssyncset.done $0x0  }
0x43: {  	[sflag:s14] =	ssyncadd.s32 $0xFFFFF000  }
0x44: {  	[spmem:s2] =	stream.indirect.scatter.add.f32 [tilespmem:s20], [sflag:$0x3], $0x20, s26, s19, $0xb8;
	[tilespmem:$0x8300] =	vst v63  }
0x45: {  	_ =	swait.ge [sflag:s17], $0x1000  }
0x46: {  	[sflag:s17] =	ssyncset.done $0x0  }
0x47: {  	s30 =	sadd.s32 s28, s11;
	[sflag:s17] =	ssyncadd.s32 $0xFFFFF000  }
0x48: {  	[tilespmem:s20], [sflag:$0x1] =	stream.strided.gather [hbm4b:s30+s18], $0x1000, s19, s18, $0x38;
	[tilespmem:$0x8300] =	vst v63  }
0x49: {  	_ =	swait.ge [sflag:s22], $0x1000  }
0x4a: {  	[sflag:s22] =	ssyncset.done $0x0  }
0x4b: {  	s31 =	sadd.s32 $0x80, s26;
	[sflag:s22] =	ssyncadd.s32 $0xFFFFF000  }
0x4c: {  	[spmem:s2] =	stream.indirect.scatter.add.f32 [tilespmem:s21], [sflag:$0x3], $0x20, s31, s19, $0xb8;
	[tilespmem:$0x8300] =	vst v63  }
0x4d: {  	_ =	swait.ge [sflag:s17], $0x1000  }
0x4e: {  	[sflag:s17] =	ssyncset.done $0x0  }
0x4f: {  	[sflag:s17] =	ssyncadd.s32 $0xFFFFF000  }
0x50: {  	[tilespmem:s21], [sflag:$0x2] =	stream.strided.gather [hbm4b:s10+s18], $0x1000, s19, s18, $0x38;
	[tilespmem:$0x8300] =	vst v63  }
0x51: {  	_ =	swait.ge [sflag:s14], $0x1000  }
0x52: {  	[sflag:s14] =	ssyncset.done $0x0  }
0x53: {  	[sflag:s14] =	ssyncadd.s32 $0xFFFFF000  }
0x54: {  	[spmem:s2] =	stream.indirect.scatter.add.f32 [tilespmem:s20], [sflag:$0x3], $0x20, s23, s19, $0xb8;
	[tilespmem:$0x8300] =	vst v63  }
0x55: {  	_ =	swait.ge [sflag:s17], $0x1000  }
0x56: {  	[sflag:s17] =	ssyncset.done $0x0  }
0x57: {  	[sflag:s17] =	ssyncadd.s32 $0xFFFFF000  }
0x58: {  	_ =	swait.ge [sflag:s22], $0x1000  }
0x59: {  	[sflag:s22] =	ssyncset.done $0x0  }
0x5a: {  	[sflag:s22] =	ssyncadd.s32 $0xFFFFF000  }
0x5b: {  	[spmem:s2] =	stream.indirect.scatter.add.f32 [tilespmem:s21], [sflag:$0x3], $0x20, s24, s19, $0xb8;
	[tilespmem:$0x8300] =	vst v63  }
0x5c: {  	_ =	swait.ge [sflag:s17], $0x1000  }
0x5d: {  	s25 =	sadd.s32 $0x1, s25;
	[sflag:s17] =	ssyncset.done $0x0  }
0x5e: {  	p0 =	sne.s32 s25, s9;
	[sflag:s17] =	ssyncadd.s32 $0xFFFFF000  }
.Ltmp1:
0x5f: {  	[bflag:$0x0] =	sbarrier.arrive $0xFFFF;
	(pc) =	sbr.rel @p0 .LBB2_1-.Ltmp1, $4  }
0x60: {  	[hbm:s8@s16], [sflag:s5] =	dma.strided [spmem:s13@s15], $0x9E0, s14, $0x4   }
0x61: {  	_ =	swait.ge [sflag:s17], $0x9E0  }
0x62: {  	[sflag:s17] =	ssyncset.done $0x0  }
0x63: {  	[sflag:s17] =	ssyncadd.s32 $0xFFFFF620  }
0x64: {  	_ =	sfence.sel $0x180000  }
0x65: {  	[bflag:$0x0] =	sbarrier.arrive $0xFFFF  }
0x66: {  	_ =	strace $0x9000004A  }
0x67: {  	[bflag:$0x2] =	sbarrier.arrive $0xFFFF  }
0x68: {  	p0 =	sne.s32 s1, $0x0;
	s0 =	rddreg [dreg:$0x2]  }
0x69: {  	s0 =	sadd.s32 @!p0 $0x100000, s0  }
0x6a: {  	[sflag:s0] =	ssyncadd.tile.s32 @!p0 $0x1;
	_ =	shalt  }
.Lfunc_end2:
_tile_overlayer_lowered:
.L_overlay_start_2:
0x6b: {  	(tag) =	ssettag $0x2  }
0x6c: {  	s0 =	rddreg [dreg:$0x0];
	s2 =	stileid.u32  }
0x6d: {  	s1 =	rddreg [dreg:$0x1];
	p0 =	sne.s32 s2, $0x0  }
0x6e: {  	s3 =	rddreg [dreg:$0x2];
	[bflag:$0x3] =	sbarrier.arrive $0xFFFF;
	s2 =	simm.s32 @!p0 $0x1C03  }
0x6f: {  	[timem:s3], [sflag:s2] =	dma.local @!p0 [hbm:s0], s1  }
0x70: {  	s0 =	simm.s32 @!p0 $0x3  }
0x71: {  	_ =	swait.ge @!p0 [sflag:s0], s1  }
0x72: {  	s1 =	ssub.s32 @!p0 $0x0, s1;
	[sflag:s0] =	ssyncset.done @!p0 $0x0  }
0x73: {  	[sflag:s0] =	ssyncadd.s32 @!p0 s1  }
0x74: {  	[bflag:$0x3] =	sbarrier.arrive $0xFFFF  }
0x75: {  	_ =	shalt  }

// kernel: kernel.16.cloned.1.call-start
scs
__scs_entry_jumppad:
0x0: {  	(pc) =	sbr.rel $0x88, $3  }
0x1: {  	(tag) =	ssettag $0x0;
	lr =	simm.s32 $0x1  }
0x2: {  	[smem:$0x3F90] =	sst lr;
	_ =	strace $0xD0000000  }
0x3: {  	_ = 	snop  }
0x4: {  	_ = 	snop  }
0x5: {  	_ = 	snop  }
0x6: {  	_ = 	snop  }
0x7: {  	_ = 	snop  }
__scs_overlays_trampoline_lowered:
0x8: {  	[smem:$0x3F9F] =	sst s0  }
0x9: {  	[smem:$0x3FA0] =	sst s1  }
0xa: {  	[smem:$0x3FA1] =	sst s2  }
0xb: {  	[smem:$0x3FA2] =	sst s3  }
0xc: {  	[smem:$0x3FA3] =	sst s4  }
0xd: {  	[smem:$0x3FA4] =	sst s5  }
0xe: {  	[smem:$0x3FA5] =	sst s6  }
0xf: {  	[smem:$0x3FA6] =	sst s7  }
0x10: {  	[smem:$0x3FA7] =	sst s8  }
0x11: {  	[smem:$0x3FA8] =	sst s9;
	s0 =	simm.s32 @!p0 $0x0  }
0x12: {  	s1 =	sld [smem:$0x3F8E];
	s0 =	simm.s32 @p0 $0x1  }
0x13: {  	[smem:$0x3FA9] =	sst s0;
	s0 =	simm.s32 @!p1 $0x0  }
0x14: {  	s2 =	sld [smem:$0x3F8D];
	s0 =	simm.s32 @p1 $0x1  }
0x15: {  	[smem:$0x3FAA] =	sst s0;
	s0 =	simm.s32 @!p2 $0x0  }
0x16: {  	s3 =	sld [smem:$0x3FDB];
	s0 =	simm.s32 @p2 $0x1  }
0x17: {  	s4 =	simm.s32 $0x1BF5;
	[smem:$0x3FAC] =	sst s0  }
0x18: {  	s0 =	sld [smem:$0x3F8F];
	_ =	swait.ge [sflag:s4], $0x0  }
0x19: {  	s7 =	sld [smem:$0x3F90]  }
0x1a: {  	s8 =	sadd.s32 $0xFFFFE003, lr  }
0x1b: {  	s9 =	sadd.s32 $0xFFFFFEF7, lr;
	s5 =	simm.s32 $0xFFFFFFFF;
	p2 =	slt.u32 s8, $0xFFFFF086  }
0x1c: {  	p1 =	slt.u32 s9, $0xF7A;
	s5 =	simm.s32 @!p2 $0x0  }
0x1d: {  	s5 =	simm.s32 @p1 $0x1;
	p0 =	seq.s32 s7, s2  }
0x1e: {  	s7 =	smul.u32 @!p0 $0xF7A, s2;
	p2 =	seq.s32 @!p0 s5, $0x0  }
0x1f: {  	s9 =	smul.u32 $0xF7A, s1;
	s8 =	simm.s32 @!p0 $0x1BF5;
	p2 =	por !p2, p0  }
0x20: {  	[sflag:s8] =	ssyncset.s32 @!p0 $0xFFFFF086;
	s6 =	sadd.s32 @!p0 s3, s7;
	s7 =	simm.s32 @!p0 $0x108  }
0x21: {  	s3 =	sadd.s32 s3, s9;
	s6 =	sadd.s32 @!p0 $0x88, s6;
	s7 =	simm.s32 @p2 $0x1082  }
0x22: {  	[simem:s7], [sflag:s8] =	dma.local @!p0 [hbm:s6], $0xF7A  }
0x23: {  	s9 =	sor.u32 $0xD0000000, s2;
	s6 =	simm.s32 $0x108;
	_ =	swait.ge @!p0 [sflag:s8], $0x0  }
0x24: {  	s3 =	sadd.s32 $0x88, s3;
	s6 =	simm.s32 @!p1 $0x1082;
	[sflag:s4] =	ssyncset.s32 $0xFFFFF086  }
0x25: {  	[simem:s6], [sflag:s4] =	dma.local [hbm:s3], $0xF7A  }
0x26: {  	[smem:$0x3F90] =	sst s1;
	(tag) =	ssettag s2;
	_ =	strace s9  }
0x27: {  	s1 =	sld [smem:$0x3FA0]  }
0x28: {  	s2 =	sld [smem:$0x3FA1]  }
0x29: {  	s4 =	sld [smem:$0x3FA3]  }
0x2a: {  	p0 =	seq.s32 s5, $0x0;
	s5 =	sld [smem:$0x3FA4]  }
0x2b: {  	s6 =	sld [smem:$0x3FA5]  }
0x2c: {  	s7 =	sld [smem:$0x3FA6]  }
0x2d: {  	s3 =	simm.s32 $0x108;
	s8 =	sld [smem:$0x3FA7]  }
0x2e: {  	s3 =	simm.s32 @!p0 $0x1082;
	s9 =	sld [smem:$0x3FA8]  }
0x2f: {  	lr =	sadd.s32 s0, s3;
	s0 =	sld [smem:$0x3F9F]  }
0x30: {  	s3 =	sld [smem:$0x3FA2]  }
0x31: {  	[smem:$0x3FAB] =	sst s10  }
0x32: {  	s10 =	sld [smem:$0x3FA9];
	_ =	sdelay $0x3  }
0x33: {  	p0 =	seq.s32 s10, $0x1;
	s10 =	sld [smem:$0x3FAB];
	_ =	sdelay $0x3  }
0x34: {  	[smem:$0x3FAB] =	sst s10  }
0x35: {  	s10 =	sld [smem:$0x3FAA];
	_ =	sdelay $0x3  }
0x36: {  	p1 =	seq.s32 s10, $0x1;
	s10 =	sld [smem:$0x3FAB];
	_ =	sdelay $0x3  }
0x37: {  	[smem:$0x3FAB] =	sst s10  }
0x38: {  	s10 =	sld [smem:$0x3FAC]  }
0x39: {  	_ = 	snop;
	(pc) =	sbr.ind lr, $3  }
0x3a: {  	_ = 	snop  }
0x3b: {  	_ = 	snop  }
0x3c: {  	p2 =	seq.s32 s10, $0x1;
	s10 =	sld [smem:$0x3FAB]  }
0x3d: {  	_ =	shalt  }
0x3e: {  	_ =	shalt  }
0x3f: {  	_ =	shalt  }
0x40: {  	_ =	shalt  }
0x41: {  	_ =	shalt  }
0x42: {  	_ =	shalt  }
0x43: {  	_ =	shalt  }
0x44: {  	_ =	shalt  }
0x45: {  	_ =	shalt  }
0x46: {  	_ =	shalt  }
0x47: {  	_ =	shalt  }
0x48: {  	_ =	shalt  }
0x49: {  	_ =	shalt  }
0x4a: {  	_ =	shalt  }
0x4b: {  	_ =	shalt  }
0x4c: {  	_ =	shalt  }
0x4d: {  	_ =	shalt  }
0x4e: {  	_ =	shalt  }
0x4f: {  	_ =	shalt  }
0x50: {  	_ =	shalt  }
0x51: {  	_ =	shalt  }
0x52: {  	_ =	shalt  }
0x53: {  	_ =	shalt  }
0x54: {  	_ =	shalt  }
0x55: {  	_ =	shalt  }
0x56: {  	_ =	shalt  }
0x57: {  	_ =	shalt  }
0x58: {  	_ =	shalt  }
0x59: {  	_ =	shalt  }
0x5a: {  	_ =	shalt  }
0x5b: {  	_ =	shalt  }
0x5c: {  	_ =	shalt  }
0x5d: {  	_ =	shalt  }
0x5e: {  	_ =	shalt  }
0x5f: {  	_ =	shalt  }
0x60: {  	_ =	shalt  }
0x61: {  	_ =	shalt  }
0x62: {  	_ =	shalt  }
0x63: {  	_ =	shalt  }
0x64: {  	_ =	shalt  }
0x65: {  	_ =	shalt  }
0x66: {  	_ =	shalt  }
0x67: {  	_ =	shalt  }
0x68: {  	_ =	shalt  }
0x69: {  	_ =	shalt  }
0x6a: {  	_ =	shalt  }
0x6b: {  	_ =	shalt  }
0x6c: {  	_ =	shalt  }
0x6d: {  	_ =	shalt  }
0x6e: {  	_ =	shalt  }
0x6f: {  	_ =	shalt  }
0x70: {  	_ =	shalt  }
0x71: {  	_ =	shalt  }
0x72: {  	_ =	shalt  }
0x73: {  	_ =	shalt  }
0x74: {  	_ =	shalt  }
0x75: {  	_ =	shalt  }
0x76: {  	_ =	shalt  }
0x77: {  	_ =	shalt  }
0x78: {  	_ =	shalt  }
0x79: {  	_ =	shalt  }
0x7a: {  	_ =	shalt  }
0x7b: {  	_ =	shalt  }
0x7c: {  	_ =	shalt  }
0x7d: {  	_ =	shalt  }
0x7e: {  	_ =	shalt  }
0x7f: {  	_ =	shalt  }
0x80: {  	_ =	shalt  }
0x81: {  	_ =	shalt  }
0x82: {  	_ =	shalt  }
0x83: {  	_ =	shalt  }
0x84: {  	_ =	shalt  }
0x85: {  	_ =	shalt  }
0x86: {  	_ =	shalt  }
0x87: {  	_ =	shalt  }
.Lfunc_end0:
.L_simem_size_0:
called_computation.2_lowered:
.L_overlay_start_0:
0x88: {  	s2 =	sld [smem:$0x3FD9]  }
0x89: {  	s3 =	sld [smem:$0x3FFE];
	_ =	sdelay $0x1  }
0x8a: {  	s1 =	srdreg.scid  }
0x8b: {  	s0 =	sand.u32 $0x1, s1  }
0x8c: {  	s16 =	sshll.u32 s0, $0xA;
	s2 =	sadd.s32 s3, s2  }
0x8d: {  	s2 =	sadd.s32 s2, s16  }
0x8e: {  	[smem:$0x3FB7] =	sst s2  }
0x8f: {  	_ = 	snop  }
0x90: {  	(tm) =	ssettm $0x1  }
0x91: {  	s17 =	sld [smem:$0x3FFB];
	_ =	sdelay $0x3  }
0x92: {  	_ =	strace s17  }
0x93: {  	s2 =	sld [smem:$0x3FFC];
	_ =	sdelay $0x3  }
0x94: {  	_ =	strace s2  }
0x95: {  	s2 =	sld [smem:$0x3FFD];
	_ =	sdelay $0x3  }
0x96: {  	_ =	strace s2  }
0x97: {  	_ =	strace $0x8FFFFFFF  }
0x98: {  	s18 =	sld [smem:$0x3FDB];
	_ =	sdelay $0x1  }
0x99: {  	s19 =	simm.s32 $_scs_section_size  }
0x9a: {  	s4 =	simm.s32 $_size__tile_overlayer_lowered;
	s5 =	simm.s32 $_tile_overlayer_lowered  }
0x9b: {  	s22 =	simm.s32 $0x1BFF;
	s21 =	sshll.u32 s5, $0x1;
	s2 =	sadd.s32 s19, s18  }
0x9c: {  	s6 =	simm.s32 $0x0;
	s20 =	sshll.u32 s4, $0x1;
	s4 =	sadd.s32 s21, s2  }
0x9d: {  	[timem:s6], [sflag:s22] =	dma.local [hbm:s4], s20  }
0x9e: {  	_ =	swait.ge [sflag:s22], s20  }
0x9f: {  	s3 =	ssub.s32 $0x0, s20;
	[sflag:s22] =	ssyncset.done $0x0  }
0xa0: {  	[sflag:s22] =	ssyncadd.s32 s3;
	_ =	sdelay $0x1  }
0xa1: {  	s23 =	simm.s32 $0x1B8B  }
0xa2: {  	_ =	swait.ge [sflag:s23], $0x1  }
0xa3: {  	[sflag:s23] =	ssyncset.done $0x0  }
0xa4: {  	s25 =	simm.s32 $0x1B8E;
	s24 =	sld [smem:$0x3FFE];
	[sflag:s23] =	ssyncadd.s32 $0xFFFFFFFF  }
0xa5: {  	s26 =	simm.s32 $execute0_lowered;
	[smem:$0x3FD2] =	sst s25  }
0xa6: {  	s4 =	sshll.u32 s26, $0x1;
	_ =	strace $0x8000004C;
	[dreg:$0x1] =	wrdreg $0xFFFFFFFF  }
0xa7: {  	s28 =	simm.s32 $_size_execute0_lowered;
	s2 =	sadd.s32 s2, s4;
	[dreg:$0x0] =	wrdreg $0x0  }
0xa8: {  	s4 =	sshll.u32 s28, $0x1;
	[dreg:$0x2] =	wrdreg s2  }
0xa9: {  	[dreg:$0x3] =	wrdreg s4  }
0xaa: {  	[dreg:$0x4] =	wrdreg $0xC0  }
0xab: {  	_ =	task [dreg:s6], $0x5FFFF  }
0xac: {  	[dreg:$0x1] =	wrdreg $0xFFFFFFFF  }
0xad: {  	[dreg:$0x0] =	wrdreg $0x60  }
0xae: {  	[dreg:$0x2] =	wrdreg s24  }
0xaf: {  	[dreg:$0x3] =	wrdreg $0x154000  }
0xb0: {  	[dreg:$0x4] =	wrdreg $0x9  }
0xb1: {  	_ =	task.clear_ibuf [dreg:s6], $0x5FFFF;
	_ =	strace $0x9000004C  }
0xb2: {  	s29 =	simm.s32 $0x9;
	_ =	strace $0x8000004E  }
0xb3: {  	_ =	swait.ge [sflag:s29], $0x1  }
0xb4: {  	[sflag:s29] =	ssyncadd.s32 $0xFFFFFFFF  }
0xb5: {  	_ =	strace $0x9000004E  }
0xb6: {  	_ =	sfence  }
0xb7: {  	s30 =	sld [smem:$0x0];
	_ =	sdelay $0x2  }
0xb8: {  	s31 =	sshll.u32 s1, $0xD;
	s1 =	sshrl.u32 s1, $0x2  }
0xb9: {  	s3 =	sand.u32 $0x4000, s31;
	s1 =	sadd.s32 s1, s30  }
0xba: {  	s0 =	sor.u32 s3, s0;
	s1 =	sshll.u32 s1, $0x11  }
0xbb: {  	s0 =	sor.u32 s1, s0  }
0xbc: {  	s0 =	sadd.s32 $0x8F2B, s0  }
0xbd: {  	[sflag:s0] =	ssyncadd.remote.s32 $0x1  }
0xbe: {  	_ =	sfence.sel $0xFFFF  }
0xbf: {  	[dreg:$0x0] =	wrdreg $0xFFFFFFFF;
	(pc) =	sbr.abs _section_cstart, $3  }
0xc0: {  	[dreg:$0x1] =	wrdreg $0xFFFFFFFF  }
0xc1: {  	_ =	task.clear_ibuf [dreg:s6], $0x2FFFF;
	_ =	strace $0x9FFFFFFF  }
0xc2: {  	(tm) =	ssettm $0x7FFFFFFF  }
0xc3: {  	_ =	shalt  }
tec
execute0_lowered:
.L_overlay_start_1:
0x0: {  	(tag) =	ssettag $0x1  }
0x1: {  	s0 =	stileid.u32;
	s6 =	rddreg [dreg:$0x0]  }
0x2: {  	s1 =	srdreg.scid;
	s2 =	rddreg [dreg:$0x1]  }
0x3: {  	s3 =	simm.s32 $0x0;
	s13 =	simm.s32 $0x10;
	s15 =	simm.s32 $0x80  }
0x4: {  	s16 =	simm.s32 $0x1400;
	s17 =	simm.s32 $0x0;
	s4 =	sand.u32 $0x1, s1  }
0x5: {  	s29 =	sshll.u32 s0, $0x1;
	s5 =	smul.u32 $0x2700, s0;
	s1 =	rddreg [dreg:$0x2]  }
0x6: {  	[smem:$0x7FF] =	sst s3;
	s9 =	smul.u32 $0x9C00, s0;
	s31 =	sshll.u32 s0, $0x6  }
0x7: {  	s14 =	sadd.s32 $0x27000, s2;
	p0 =	sne.s32 s0, $0xF;
	s7 =	sor.u32 s4, s29  }
0x8: {  	_ =	strace $0x8000004D;
	s4 =	ssub.s32 $0x2, s4;
	s8 =	smul.u32 $0x280, s7  }
0x9: {  	s14 =	sshrl.u32 @!p0 s14, $0x3;
	s7 =	smul.u32 $0x14000, s7;
	s10 =	sshrl.u32 s4, $0x1  }
0xa: {  	s5 =	sadd.s32 s5, s6;
	s30 =	sshrl.u32 s9, $0x2;
	s10 =	ssub.s32 s4, s10  }
0xb: {  	s12 =	sadd.s32 s30, s2;
	s4 =	sadd.s32 $0x30C00, s5;
	s5 =	sor.u32 $0x1C02, s31  }
0xc: {  	s8 =	sadd.s32 s8, s6;
	s11 =	sadd.s32 s7, s6;
	s6 =	sadd.s32 $0x57C00, s6  }
0xd: {  	s9 =	smax.u32 s10, $0x1;
	s10 =	sshrl.u32 s12, $0x3;
	s12 =	simm.s32 $0x2  }
0xe: {  	s7 =	sadd.s32 $0x4400, s8;
	s8 =	sadd.s32 $0x3C6C00, s11;
	s11 =	simm.s32 $0x1  }
.LBB2_1:
0xf: {  	[spmem:s10@s12], [sflag:s5] =	dma.strided [hbm:s4@s13], $0x4E0, s11, $0x2   }
0x10: {  	_ =	swait.ge [sflag:s12], $0x4E0  }
0x11: {  	s18 =	simm.s32 @!p0 $0x1;
	[sflag:s12] =	ssyncset.done $0x0  }
0x12: {  	s19 =	simm.s32 @!p0 $0x2;
	s20 =	simm.s32 @!p0 $0x10;
	[sflag:s12] =	ssyncadd.s32 $0xFFFFFB20  }
0x13: {  	[spmem:s14@s19], [sflag:s5] =	dma.strided @!p0 [hbm:s6@s20], $0x20, s18, $0x2   }
0x14: {  	_ =	swait.ge @!p0 [sflag:s19], $0x20  }
0x15: {  	[sflag:s19] =	ssyncset.done @!p0 $0x0  }
0x16: {  	[sflag:s19] =	ssyncadd.s32 @!p0 $0xFFFFFFE0  }
0x17: {  	[tilespmem:s3], [sflag:$0x2] =	stream.linear.gather [hbm4b:s7+s3], $0x1400, $0x38;
	[tilespmem:$0x17B10] =	vst v63  }
0x18: {  	_ =	swait.ge [sflag:s12], $0x1400  }
0x19: {  	[sflag:s12] =	ssyncset.done $0x0  }
0x1a: {  	[sflag:s12] =	ssyncadd.s32 $0xFFFFEC00  }
0x1b: {  	s18 =	simm.s32 $0x1400;
	s19 =	simm.s32 $0x0;
	[bflag:$0x0] =	sbarrier.arrive $0xFFFF  }
.LBB2_2:
0x1c: {  	p1 =	sne.s32 s19, $0x4E00  }
.Ltmp0:
0x1d: {  	_ = 	snop;
	(pc) =	sbr.rel @p1 .LBB2_2-.Ltmp0, $4  }
0x1e: {  	_ = 	snop  }
0x1f: {  	s20 =	sshra.s32 s19, $0x2  }
0x20: {  	[tilespmem:s18], [sflag:$0x1] =	stream.indirect.gather [spmem:s2], $0x10, s20, s15, $0xb8;
	[tilespmem:$0x17B10] =	vst v63  }
0x21: {  	s19 =	sadd.s32 $0x200, s19;
	s18 =	sadd.s32 $0x800, s18  }
0x22: {  	_ =	swait.ge [sflag:s11], $0x800  }
0x23: {  	s18 =	simm.s32 $0x27;
	[sflag:s11] =	ssyncset.done $0x0  }
.LBB2_4:
0x24: {  	p1 =	sne.s32 s18, $0x1;
	s18 =	sadd.s32 $0xFFFFFFFF, s18;
	[sflag:s11] =	ssyncadd.s32 $0xFFFFF800  }
.Ltmp1:
0x25: {  	(pc) =	sbr.rel @p1 .LBB2_4-.Ltmp1, $3  }
0x26: {  	_ =	sdelay $0x1  }
0x27: {  	_ =	swait.ge [sflag:s11], $0x800  }
0x28: {  	[sflag:s11] =	ssyncset.done $0x0  }
0x29: {  	s17 =	sadd.s32 $0x1, s17  }
0x2a: {  	p1 =	sne.s32 s17, s9  }
.Ltmp2:
0x2b: {  	[sflag:s11] =	ssyncadd.s32 $0xFFFFF800;
	(pc) =	sbr.rel @p1 .LBB2_1-.Ltmp2, $4  }
0x2c: {  	[hbm4b:s8+s13] =	stream.strided.scatter [tilespmem:s16], [sflag:$0x2], $0x14000, s15, s13, $0x38;
	[tilespmem:$0x17B10] =	vst v63  }
0x2d: {  	_ =	swait.ge [sflag:s12], $0x14000  }
0x2e: {  	[sflag:s12] =	ssyncset.done $0x0  }
0x2f: {  	[sflag:s12] =	ssyncadd.s32 $0xFFFEC000  }
0x30: {  	_ =	sfence.sel $0x180000  }
0x31: {  	[bflag:$0x0] =	sbarrier.arrive $0xFFFF  }
0x32: {  	p0 =	sne.s32 s0, $0x0;
	_ =	strace $0x9000004D  }
0x33: {  	s0 =	sadd.s32 @!p0 $0x100000, s1;
	[bflag:$0x2] =	sbarrier.arrive $0xFFFF  }
0x34: {  	[sflag:s0] =	ssyncadd.tile.s32 @!p0 $0x1;
	_ =	shalt  }
.Lfunc_end2:
_tile_overlayer_lowered:
.L_overlay_start_2:
0x35: {  	(tag) =	ssettag $0x2  }
0x36: {  	s0 =	rddreg [dreg:$0x0];
	s2 =	stileid.u32  }
0x37: {  	s1 =	rddreg [dreg:$0x1];
	p0 =	sne.s32 s2, $0x0  }
0x38: {  	s3 =	rddreg [dreg:$0x2];
	[bflag:$0x3] =	sbarrier.arrive $0xFFFF;
	s2 =	simm.s32 @!p0 $0x1C02  }
0x39: {  	[timem:s3], [sflag:s2] =	dma.local @!p0 [hbm:s0], s1  }
0x3a: {  	s0 =	simm.s32 @!p0 $0x2  }
0x3b: {  	_ =	swait.ge @!p0 [sflag:s0], s1  }
0x3c: {  	s1 =	ssub.s32 @!p0 $0x0, s1;
	[sflag:s0] =	ssyncset.done @!p0 $0x0  }
0x3d: {  	[sflag:s0] =	ssyncadd.s32 @!p0 s1  }
0x3e: {  	[bflag:$0x3] =	sbarrier.arrive $0xFFFF  }
0x3f: {  	_ =	shalt  }

// kernel: kernel.19.cloned.1.call-start
scs
__scs_entry_jumppad:
0x0: {  	(pc) =	sbr.rel $0x88, $3  }
0x1: {  	(tag) =	ssettag $0x0;
	lr =	simm.s32 $0x1  }
0x2: {  	[smem:$0x3F90] =	sst lr;
	_ =	strace $0xD0000000  }
0x3: {  	_ = 	snop  }
0x4: {  	_ = 	snop  }
0x5: {  	_ = 	snop  }
0x6: {  	_ = 	snop  }
0x7: {  	_ = 	snop  }
__scs_overlays_trampoline_lowered:
0x8: {  	[smem:$0x3F9F] =	sst s0  }
0x9: {  	[smem:$0x3FA0] =	sst s1  }
0xa: {  	[smem:$0x3FA1] =	sst s2  }
0xb: {  	[smem:$0x3FA2] =	sst s3  }
0xc: {  	[smem:$0x3FA3] =	sst s4  }
0xd: {  	[smem:$0x3FA4] =	sst s5  }
0xe: {  	[smem:$0x3FA5] =	sst s6  }
0xf: {  	[smem:$0x3FA6] =	sst s7  }
0x10: {  	[smem:$0x3FA7] =	sst s8  }
0x11: {  	[smem:$0x3FA8] =	sst s9;
	s0 =	simm.s32 @!p0 $0x0  }
0x12: {  	s1 =	sld [smem:$0x3F8E];
	s0 =	simm.s32 @p0 $0x1  }
0x13: {  	[smem:$0x3FA9] =	sst s0;
	s0 =	simm.s32 @!p1 $0x0  }
0x14: {  	s2 =	sld [smem:$0x3F8D];
	s0 =	simm.s32 @p1 $0x1  }
0x15: {  	[smem:$0x3FAA] =	sst s0;
	s0 =	simm.s32 @!p2 $0x0  }
0x16: {  	s3 =	sld [smem:$0x3FDB];
	s0 =	simm.s32 @p2 $0x1  }
0x17: {  	s4 =	simm.s32 $0x1BF5;
	[smem:$0x3FAC] =	sst s0  }
0x18: {  	s0 =	sld [smem:$0x3F8F];
	_ =	swait.ge [sflag:s4], $0x0  }
0x19: {  	s7 =	sld [smem:$0x3F90]  }
0x1a: {  	s8 =	sadd.s32 $0xFFFFE003, lr  }
0x1b: {  	s9 =	sadd.s32 $0xFFFFFEF7, lr;
	s5 =	simm.s32 $0xFFFFFFFF;
	p2 =	slt.u32 s8, $0xFFFFF086  }
0x1c: {  	p1 =	slt.u32 s9, $0xF7A;
	s5 =	simm.s32 @!p2 $0x0  }
0x1d: {  	s5 =	simm.s32 @p1 $0x1;
	p0 =	seq.s32 s7, s2  }
0x1e: {  	s7 =	smul.u32 @!p0 $0xF7A, s2;
	p2 =	seq.s32 @!p0 s5, $0x0  }
0x1f: {  	s9 =	smul.u32 $0xF7A, s1;
	s8 =	simm.s32 @!p0 $0x1BF5;
	p2 =	por !p2, p0  }
0x20: {  	[sflag:s8] =	ssyncset.s32 @!p0 $0xFFFFF086;
	s6 =	sadd.s32 @!p0 s3, s7;
	s7 =	simm.s32 @!p0 $0x108  }
0x21: {  	s3 =	sadd.s32 s3, s9;
	s6 =	sadd.s32 @!p0 $0x88, s6;
	s7 =	simm.s32 @p2 $0x1082  }
0x22: {  	[simem:s7], [sflag:s8] =	dma.local @!p0 [hbm:s6], $0xF7A  }
0x23: {  	s9 =	sor.u32 $0xD0000000, s2;
	s6 =	simm.s32 $0x108;
	_ =	swait.ge @!p0 [sflag:s8], $0x0  }
0x24: {  	s3 =	sadd.s32 $0x88, s3;
	s6 =	simm.s32 @!p1 $0x1082;
	[sflag:s4] =	ssyncset.s32 $0xFFFFF086  }
0x25: {  	[simem:s6], [sflag:s4] =	dma.local [hbm:s3], $0xF7A  }
0x26: {  	[smem:$0x3F90] =	sst s1;
	(tag) =	ssettag s2;
	_ =	strace s9  }
0x27: {  	s1 =	sld [smem:$0x3FA0]  }
0x28: {  	s2 =	sld [smem:$0x3FA1]  }
0x29: {  	s4 =	sld [smem:$0x3FA3]  }
0x2a: {  	p0 =	seq.s32 s5, $0x0;
	s5 =	sld [smem:$0x3FA4]  }
0x2b: {  	s6 =	sld [smem:$0x3FA5]  }
0x2c: {  	s7 =	sld [smem:$0x3FA6]  }
0x2d: {  	s3 =	simm.s32 $0x108;
	s8 =	sld [smem:$0x3FA7]  }
0x2e: {  	s3 =	simm.s32 @!p0 $0x1082;
	s9 =	sld [smem:$0x3FA8]  }
0x2f: {  	lr =	sadd.s32 s0, s3;
	s0 =	sld [smem:$0x3F9F]  }
0x30: {  	s3 =	sld [smem:$0x3FA2]  }
0x31: {  	[smem:$0x3FAB] =	sst s10  }
0x32: {  	s10 =	sld [smem:$0x3FA9];
	_ =	sdelay $0x3  }
0x33: {  	p0 =	seq.s32 s10, $0x1;
	s10 =	sld [smem:$0x3FAB];
	_ =	sdelay $0x3  }
0x34: {  	[smem:$0x3FAB] =	sst s10  }
0x35: {  	s10 =	sld [smem:$0x3FAA];
	_ =	sdelay $0x3  }
0x36: {  	p1 =	seq.s32 s10, $0x1;
	s10 =	sld [smem:$0x3FAB];
	_ =	sdelay $0x3  }
0x37: {  	[smem:$0x3FAB] =	sst s10  }
0x38: {  	s10 =	sld [smem:$0x3FAC]  }
0x39: {  	_ = 	snop;
	(pc) =	sbr.ind lr, $3  }
0x3a: {  	_ = 	snop  }
0x3b: {  	_ = 	snop  }
0x3c: {  	p2 =	seq.s32 s10, $0x1;
	s10 =	sld [smem:$0x3FAB]  }
0x3d: {  	_ =	shalt  }
0x3e: {  	_ =	shalt  }
0x3f: {  	_ =	shalt  }
0x40: {  	_ =	shalt  }
0x41: {  	_ =	shalt  }
0x42: {  	_ =	shalt  }
0x43: {  	_ =	shalt  }
0x44: {  	_ =	shalt  }
0x45: {  	_ =	shalt  }
0x46: {  	_ =	shalt  }
0x47: {  	_ =	shalt  }
0x48: {  	_ =	shalt  }
0x49: {  	_ =	shalt  }
0x4a: {  	_ =	shalt  }
0x4b: {  	_ =	shalt  }
0x4c: {  	_ =	shalt  }
0x4d: {  	_ =	shalt  }
0x4e: {  	_ =	shalt  }
0x4f: {  	_ =	shalt  }
0x50: {  	_ =	shalt  }
0x51: {  	_ =	shalt  }
0x52: {  	_ =	shalt  }
0x53: {  	_ =	shalt  }
0x54: {  	_ =	shalt  }
0x55: {  	_ =	shalt  }
0x56: {  	_ =	shalt  }
0x57: {  	_ =	shalt  }
0x58: {  	_ =	shalt  }
0x59: {  	_ =	shalt  }
0x5a: {  	_ =	shalt  }
0x5b: {  	_ =	shalt  }
0x5c: {  	_ =	shalt  }
0x5d: {  	_ =	shalt  }
0x5e: {  	_ =	shalt  }
0x5f: {  	_ =	shalt  }
0x60: {  	_ =	shalt  }
0x61: {  	_ =	shalt  }
0x62: {  	_ =	shalt  }
0x63: {  	_ =	shalt  }
0x64: {  	_ =	shalt  }
0x65: {  	_ =	shalt  }
0x66: {  	_ =	shalt  }
0x67: {  	_ =	shalt  }
0x68: {  	_ =	shalt  }
0x69: {  	_ =	shalt  }
0x6a: {  	_ =	shalt  }
0x6b: {  	_ =	shalt  }
0x6c: {  	_ =	shalt  }
0x6d: {  	_ =	shalt  }
0x6e: {  	_ =	shalt  }
0x6f: {  	_ =	shalt  }
0x70: {  	_ =	shalt  }
0x71: {  	_ =	shalt  }
0x72: {  	_ =	shalt  }
0x73: {  	_ =	shalt  }
0x74: {  	_ =	shalt  }
0x75: {  	_ =	shalt  }
0x76: {  	_ =	shalt  }
0x77: {  	_ =	shalt  }
0x78: {  	_ =	shalt  }
0x79: {  	_ =	shalt  }
0x7a: {  	_ =	shalt  }
0x7b: {  	_ =	shalt  }
0x7c: {  	_ =	shalt  }
0x7d: {  	_ =	shalt  }
0x7e: {  	_ =	shalt  }
0x7f: {  	_ =	shalt  }
0x80: {  	_ =	shalt  }
0x81: {  	_ =	shalt  }
0x82: {  	_ =	shalt  }
0x83: {  	_ =	shalt  }
0x84: {  	_ =	shalt  }
0x85: {  	_ =	shalt  }
0x86: {  	_ =	shalt  }
0x87: {  	_ =	shalt  }
.Lfunc_end0:
.L_simem_size_0:
called_computation.3_lowered:
.L_overlay_start_0:
0x88: {  	s2 =	sld [smem:$0x3FD9]  }
0x89: {  	s3 =	sld [smem:$0x3FFE];
	_ =	sdelay $0x1  }
0x8a: {  	s1 =	srdreg.scid  }
0x8b: {  	s0 =	sand.u32 $0x1, s1  }
0x8c: {  	s16 =	sshll.u32 s0, $0xA;
	s2 =	sadd.s32 s3, s2  }
0x8d: {  	s2 =	sadd.s32 s2, s16  }
0x8e: {  	[smem:$0x3FB7] =	sst s2  }
0x8f: {  	_ = 	snop  }
0x90: {  	(tm) =	ssettm $0x1  }
0x91: {  	s17 =	sld [smem:$0x3FFB];
	_ =	sdelay $0x3  }
0x92: {  	_ =	strace s17  }
0x93: {  	s2 =	sld [smem:$0x3FFC];
	_ =	sdelay $0x3  }
0x94: {  	_ =	strace s2  }
0x95: {  	s2 =	sld [smem:$0x3FFD];
	_ =	sdelay $0x3  }
0x96: {  	_ =	strace s2  }
0x97: {  	_ =	strace $0x8FFFFFFF  }
0x98: {  	s18 =	sld [smem:$0x3FDB];
	_ =	sdelay $0x1  }
0x99: {  	s19 =	simm.s32 $_scs_section_size  }
0x9a: {  	s4 =	simm.s32 $_size__tile_overlayer_lowered;
	s5 =	simm.s32 $_tile_overlayer_lowered  }
0x9b: {  	s22 =	simm.s32 $0x1BFF;
	s21 =	sshll.u32 s5, $0x1;
	s2 =	sadd.s32 s19, s18  }
0x9c: {  	s6 =	simm.s32 $0x0;
	s20 =	sshll.u32 s4, $0x1;
	s4 =	sadd.s32 s21, s2  }
0x9d: {  	[timem:s6], [sflag:s22] =	dma.local [hbm:s4], s20  }
0x9e: {  	_ =	swait.ge [sflag:s22], s20  }
0x9f: {  	s3 =	ssub.s32 $0x0, s20;
	[sflag:s22] =	ssyncset.done $0x0  }
0xa0: {  	[sflag:s22] =	ssyncadd.s32 s3;
	_ =	sdelay $0x1  }
0xa1: {  	s23 =	simm.s32 $0x1B8B  }
0xa2: {  	_ =	swait.ge [sflag:s23], $0x1  }
0xa3: {  	[sflag:s23] =	ssyncset.done $0x0  }
0xa4: {  	s25 =	simm.s32 $0x1B8E;
	s24 =	sld [smem:$0x3FFE];
	[sflag:s23] =	ssyncadd.s32 $0xFFFFFFFF  }
0xa5: {  	s26 =	simm.s32 $execute0_lowered;
	[smem:$0x3FD2] =	sst s25  }
0xa6: {  	s4 =	sshll.u32 s26, $0x1;
	_ =	strace $0x8000004F;
	[dreg:$0x1] =	wrdreg $0xFFFFFFFF  }
0xa7: {  	s28 =	simm.s32 $_size_execute0_lowered;
	s2 =	sadd.s32 s2, s4;
	[dreg:$0x0] =	wrdreg $0x0  }
0xa8: {  	s4 =	sshll.u32 s28, $0x1;
	[dreg:$0x2] =	wrdreg s2  }
0xa9: {  	[dreg:$0x3] =	wrdreg s4  }
0xaa: {  	[dreg:$0x4] =	wrdreg $0xC0  }
0xab: {  	_ =	task [dreg:s6], $0x5FFFF  }
0xac: {  	[dreg:$0x1] =	wrdreg $0xFFFFFFFF  }
0xad: {  	[dreg:$0x0] =	wrdreg $0x60  }
0xae: {  	[dreg:$0x2] =	wrdreg s24  }
0xaf: {  	[dreg:$0x3] =	wrdreg $0x34000  }
0xb0: {  	[dreg:$0x4] =	wrdreg $0x9  }
0xb1: {  	_ =	task.clear_ibuf [dreg:s6], $0x5FFFF;
	_ =	strace $0x9000004F  }
0xb2: {  	s29 =	simm.s32 $0x9;
	_ =	strace $0x80000051  }
0xb3: {  	_ =	swait.ge [sflag:s29], $0x1  }
0xb4: {  	[sflag:s29] =	ssyncadd.s32 $0xFFFFFFFF  }
0xb5: {  	_ =	strace $0x90000051  }
0xb6: {  	_ =	sfence  }
0xb7: {  	s30 =	sld [smem:$0x0];
	_ =	sdelay $0x2  }
0xb8: {  	s31 =	sshll.u32 s1, $0xD;
	s1 =	sshrl.u32 s1, $0x2  }
0xb9: {  	s3 =	sand.u32 $0x4000, s31;
	s1 =	sadd.s32 s1, s30  }
0xba: {  	s0 =	sor.u32 s3, s0;
	s1 =	sshll.u32 s1, $0x11  }
0xbb: {  	s0 =	sor.u32 s1, s0  }
0xbc: {  	s0 =	sadd.s32 $0x8F2B, s0  }
0xbd: {  	[sflag:s0] =	ssyncadd.remote.s32 $0x1  }
0xbe: {  	_ =	sfence.sel $0xFFFF  }
0xbf: {  	[dreg:$0x0] =	wrdreg $0xFFFFFFFF;
	(pc) =	sbr.abs _section_cstart, $3  }
0xc0: {  	[dreg:$0x1] =	wrdreg $0xFFFFFFFF  }
0xc1: {  	_ =	task.clear_ibuf [dreg:s6], $0x2FFFF;
	_ =	strace $0x9FFFFFFF  }
0xc2: {  	(tm) =	ssettm $0x7FFFFFFF  }
0xc3: {  	_ =	shalt  }
tec
execute0_lowered:
.L_overlay_start_1:
0x0: {  	(tag) =	ssettag $0x1  }
0x1: {  	s4 =	rddreg [dreg:$0x0]  }
0x2: {  	s2 =	rddreg [dreg:$0x1];
	s3 =	srdreg.scid  }
0x3: {  	s1 =	stileid.u32;
	s15 =	simm.s32 $0x4;
	s16 =	simm.s32 $0x10  }
0x4: {  	s17 =	simm.s32 $0x3;
	s18 =	simm.s32 $0x20;
	s19 =	simm.s32 $0x80  }
0x5: {  	s20 =	simm.s32 $0x1400;
	s21 =	simm.s32 $0x2400;
	s22 =	simm.s32 $0x2  }
0x6: {  	s23 =	simm.s32 $0x1300;
	s24 =	simm.s32 $0x1380;
	s5 =	sand.u32 $0x1, s3  }
0x7: {  	s6 =	sshll.u32 s1, $0x1;
	s7 =	smul.u32 $0x13C00, s1;
	s3 =	simm.s32 $0x0  }
0x8: {  	s11 =	sadd.s32 $0x646C00, s4;
	s13 =	smul.u32 $0x50, s1;
	s28 =	sshll.u32 s1, $0x6  }
0x9: {  	s6 =	sor.u32 s5, s6;
	s8 =	smul.u32 $0x13C000, s5;
	[smem:$0x7FF] =	sst s3  }
0xa: {  	s25 =	ssub.s32 $0x2, s5;
	s26 =	smul.u32 $0x28, s5;
	s5 =	sor.u32 $0x1C03, s28  }
0xb: {  	s9 =	smul.u32 $0x280, s6;
	_ =	strace $0x80000050;
	s10 =	sshrl.u32 s7, $0x3  }
0xc: {  	s12 =	sshrl.u32 s25, $0x1;
	s29 =	smul.u32 $0x14000, s6;
	s8 =	sadd.s32 s7, s8  }
0xd: {  	s10 =	sadd.s32 s10, s4;
	s7 =	sshrl.u32 s7, $0x2;
	s12 =	ssub.s32 s25, s12  }
0xe: {  	s30 =	sadd.s32 s26, s13;
	s25 =	simm.s32 $0x0;
	s9 =	sadd.s32 s9, s4  }
0xf: {  	s8 =	sshrl.u32 s8, $0x3;
	s14 =	sadd.s32 s7, s2;
	s7 =	sadd.s32 s11, s29  }
0x10: {  	s13 =	sshll.u32 s30, $0xB;
	s8 =	sadd.s32 s8, s4;
	s4 =	sadd.s32 $0x9400, s10  }
0x11: {  	s6 =	sadd.s32 $0x3C1C00, s9;
	s9 =	smax.u32 s12, $0x1;
	s10 =	sadd.s32 $0x13800, s7  }
0x12: {  	s31 =	sadd.s32 s13, s11;
	s13 =	sshrl.u32 s14, $0x3;
	s14 =	simm.s32 $0x1  }
0x13: {  	s8 =	sadd.s32 $0x3C6C00, s8;
	s11 =	sadd.s32 $0x1000, s31;
	s12 =	sadd.s32 $0x800, s31  }
.LBB2_1:
0x14: {  	[spmem:s13@s15], [sflag:s5] =	dma.strided [hbm:s4@s16], $0x9E0, s14, $0x4   }
0x15: {  	_ =	swait.ge [sflag:s17], $0x9E0  }
0x16: {  	[sflag:s17] =	ssyncset.done $0x0  }
0x17: {  	[sflag:s17] =	ssyncadd.s32 $0xFFFFF620  }
0x18: {  	[tilespmem:s3], [sflag:$0x3] =	stream.linear.gather [hbm4b:s6+s3], $0x1400, $0x38;
	[tilespmem:$0x8300] =	vst v63  }
0x19: {  	_ =	swait.ge [sflag:s17], $0x1400  }
0x1a: {  	[sflag:s17] =	ssyncset.done $0x0  }
0x1b: {  	[sflag:s17] =	ssyncadd.s32 $0xFFFFEC00  }
0x1c: {  	[bflag:$0x0] =	sbarrier.arrive $0xFFFF  }
0x1d: {  	[tilespmem:s20], [sflag:$0x1] =	stream.strided.gather [hbm4b:s7+s18], $0x1000, s19, s18, $0x38;
	[tilespmem:$0x8300] =	vst v63  }
0x1e: {  	s26 =	sadd.s32 $0x0, s12  }
0x1f: {  	[tilespmem:s21], [sflag:$0x2] =	stream.strided.gather [hbm4b:s26+s18], $0x1000, s19, s18, $0x38;
	[tilespmem:$0x8300] =	vst v63  }
0x20: {  	_ =	swait.ge [sflag:s14], $0x1000  }
0x21: {  	[sflag:s14] =	ssyncset.done $0x0  }
0x22: {  	[sflag:s14] =	ssyncadd.s32 $0xFFFFF000  }
0x23: {  	[spmem:s2] =	stream.indirect.scatter.add.f32 [tilespmem:s20], [sflag:$0x3], $0x20, s3, s19, $0xb8;
	[tilespmem:$0x8300] =	vst v63  }
0x24: {  	_ =	swait.ge [sflag:s17], $0x1000  }
0x25: {  	[sflag:s17] =	ssyncset.done $0x0  }
0x26: {  	s30 =	sadd.s32 $0x0, s11;
	[sflag:s17] =	ssyncadd.s32 $0xFFFFF000  }
0x27: {  	[tilespmem:s20], [sflag:$0x1] =	stream.strided.gather [hbm4b:s30+s18], $0x1000, s19, s18, $0x38;
	[tilespmem:$0x8300] =	vst v63  }
0x28: {  	_ =	swait.ge [sflag:s22], $0x1000  }
0x29: {  	[sflag:s22] =	ssyncset.done $0x0  }
0x2a: {  	s31 =	simm.s32 $0x80;
	[sflag:s22] =	ssyncadd.s32 $0xFFFFF000  }
0x2b: {  	[spmem:s2] =	stream.indirect.scatter.add.f32 [tilespmem:s21], [sflag:$0x3], $0x20, s31, s19, $0xb8;
	[tilespmem:$0x8300] =	vst v63  }
0x2c: {  	s28 =	simm.s32 $0x1000;
	_ =	swait.ge [sflag:s17], $0x1000  }
0x2d: {  	s29 =	simm.s32 $0x2000;
	s26 =	simm.s32 $0x100;
	[sflag:s17] =	ssyncset.done $0x0  }
.LBB2_2:
0x2e: {  	s30 =	sadd.s32 s28, s12  }
0x2f: {  	[sflag:s17] =	ssyncadd.s32 $0xFFFFF000;
	s31 =	smov.u32 s29;
	s0 =	sadd.s32 $0x1000, s29  }
0x30: {  	[tilespmem:s21], [sflag:$0x2] =	stream.strided.gather [hbm4b:s30+s18], $0x1000, s19, s18, $0x38;
	[tilespmem:$0x8300] =	vst v63  }
0x31: {  	p0 =	sne.s32 s29, $0x12000;
	_ =	swait.ge [sflag:s14], $0x1000  }
0x32: {  	[sflag:s14] =	ssyncset.done $0x0  }
0x33: {  	[sflag:s14] =	ssyncadd.s32 $0xFFFFF000  }
0x34: {  	[spmem:s2] =	stream.indirect.scatter.add.f32 [tilespmem:s20], [sflag:$0x3], $0x20, s26, s19, $0xb8;
	[tilespmem:$0x8300] =	vst v63  }
0x35: {  	_ =	swait.ge [sflag:s17], $0x1000  }
0x36: {  	[sflag:s17] =	ssyncset.done $0x0  }
0x37: {  	s29 =	sadd.s32 s28, s11;
	s28 =	smov.u32 s31;
	[sflag:s17] =	ssyncadd.s32 $0xFFFFF000  }
0x38: {  	[tilespmem:s20], [sflag:$0x1] =	stream.strided.gather [hbm4b:s29+s18], $0x1000, s19, s18, $0x38;
	[tilespmem:$0x8300] =	vst v63  }
0x39: {  	_ =	swait.ge [sflag:s22], $0x1000  }
.Ltmp0:
0x3a: {  	[sflag:s22] =	ssyncset.done $0x0;
	(pc) =	sbr.rel @p0 .LBB2_2-.Ltmp0, $4  }
0x3b: {  	s29 =	sadd.s32 $0x80, s26;
	[sflag:s22] =	ssyncadd.s32 $0xFFFFF000  }
0x3c: {  	[spmem:s2] =	stream.indirect.scatter.add.f32 [tilespmem:s21], [sflag:$0x3], $0x20, s29, s19, $0xb8;
	[tilespmem:$0x8300] =	vst v63  }
0x3d: {  	_ =	swait.ge [sflag:s17], $0x1000  }
0x3e: {  	s26 =	sadd.s32 $0x100, s26;
	s29 =	smov.u32 s0;
	[sflag:s17] =	ssyncset.done $0x0  }
0x3f: {  	s0 =	sadd.s32 s28, s12;
	[sflag:s17] =	ssyncadd.s32 $0xFFFFF000  }
0x40: {  	[tilespmem:s21], [sflag:$0x2] =	stream.strided.gather [hbm4b:s0+s18], $0x1000, s19, s18, $0x38;
	[tilespmem:$0x8300] =	vst v63  }
0x41: {  	_ =	swait.ge [sflag:s14], $0x1000  }
0x42: {  	[sflag:s14] =	ssyncset.done $0x0  }
0x43: {  	[sflag:s14] =	ssyncadd.s32 $0xFFFFF000  }
0x44: {  	[spmem:s2] =	stream.indirect.scatter.add.f32 [tilespmem:s20], [sflag:$0x3], $0x20, s26, s19, $0xb8;
	[tilespmem:$0x8300] =	vst v63  }
0x45: {  	_ =	swait.ge [sflag:s17], $0x1000  }
0x46: {  	[sflag:s17] =	ssyncset.done $0x0  }
0x47: {  	s30 =	sadd.s32 s28, s11;
	[sflag:s17] =	ssyncadd.s32 $0xFFFFF000  }
0x48: {  	[tilespmem:s20], [sflag:$0x1] =	stream.strided.gather [hbm4b:s30+s18], $0x1000, s19, s18, $0x38;
	[tilespmem:$0x8300] =	vst v63  }
0x49: {  	_ =	swait.ge [sflag:s22], $0x1000  }
0x4a: {  	[sflag:s22] =	ssyncset.done $0x0  }
0x4b: {  	s31 =	sadd.s32 $0x80, s26;
	[sflag:s22] =	ssyncadd.s32 $0xFFFFF000  }
0x4c: {  	[spmem:s2] =	stream.indirect.scatter.add.f32 [tilespmem:s21], [sflag:$0x3], $0x20, s31, s19, $0xb8;
	[tilespmem:$0x8300] =	vst v63  }
0x4d: {  	_ =	swait.ge [sflag:s17], $0x1000  }
0x4e: {  	[sflag:s17] =	ssyncset.done $0x0  }
0x4f: {  	[sflag:s17] =	ssyncadd.s32 $0xFFFFF000  }
0x50: {  	[tilespmem:s21], [sflag:$0x2] =	stream.strided.gather [hbm4b:s10+s18], $0x1000, s19, s18, $0x38;
	[tilespmem:$0x8300] =	vst v63  }
0x51: {  	_ =	swait.ge [sflag:s14], $0x1000  }
0x52: {  	[sflag:s14] =	ssyncset.done $0x0  }
0x53: {  	[sflag:s14] =	ssyncadd.s32 $0xFFFFF000  }
0x54: {  	[spmem:s2] =	stream.indirect.scatter.add.f32 [tilespmem:s20], [sflag:$0x3], $0x20, s23, s19, $0xb8;
	[tilespmem:$0x8300] =	vst v63  }
0x55: {  	_ =	swait.ge [sflag:s17], $0x1000  }
0x56: {  	[sflag:s17] =	ssyncset.done $0x0  }
0x57: {  	[sflag:s17] =	ssyncadd.s32 $0xFFFFF000  }
0x58: {  	_ =	swait.ge [sflag:s22], $0x1000  }
0x59: {  	[sflag:s22] =	ssyncset.done $0x0  }
0x5a: {  	[sflag:s22] =	ssyncadd.s32 $0xFFFFF000  }
0x5b: {  	[spmem:s2] =	stream.indirect.scatter.add.f32 [tilespmem:s21], [sflag:$0x3], $0x20, s24, s19, $0xb8;
	[tilespmem:$0x8300] =	vst v63  }
0x5c: {  	_ =	swait.ge [sflag:s17], $0x1000  }
0x5d: {  	s25 =	sadd.s32 $0x1, s25;
	[sflag:s17] =	ssyncset.done $0x0  }
0x5e: {  	p0 =	sne.s32 s25, s9;
	[sflag:s17] =	ssyncadd.s32 $0xFFFFF000  }
.Ltmp1:
0x5f: {  	[bflag:$0x0] =	sbarrier.arrive $0xFFFF;
	(pc) =	sbr.rel @p0 .LBB2_1-.Ltmp1, $4  }
0x60: {  	[hbm:s8@s16], [sflag:s5] =	dma.strided [spmem:s13@s15], $0x9E0, s14, $0x4   }
0x61: {  	_ =	swait.ge [sflag:s17], $0x9E0  }
0x62: {  	[sflag:s17] =	ssyncset.done $0x0  }
0x63: {  	[sflag:s17] =	ssyncadd.s32 $0xFFFFF620  }
0x64: {  	_ =	sfence.sel $0x180000  }
0x65: {  	[bflag:$0x0] =	sbarrier.arrive $0xFFFF  }
0x66: {  	_ =	strace $0x90000050  }
0x67: {  	[bflag:$0x2] =	sbarrier.arrive $0xFFFF  }
0x68: {  	p0 =	sne.s32 s1, $0x0;
	s0 =	rddreg [dreg:$0x2]  }
0x69: {  	s0 =	sadd.s32 @!p0 $0x100000, s0  }
0x6a: {  	[sflag:s0] =	ssyncadd.tile.s32 @!p0 $0x1;
	_ =	shalt  }
.Lfunc_end2:
_tile_overlayer_lowered:
.L_overlay_start_2:
0x6b: {  	(tag) =	ssettag $0x2  }
0x6c: {  	s0 =	rddreg [dreg:$0x0];
	s2 =	stileid.u32  }
0x6d: {  	s1 =	rddreg [dreg:$0x1];
	p0 =	sne.s32 s2, $0x0  }
0x6e: {  	s3 =	rddreg [dreg:$0x2];
	[bflag:$0x3] =	sbarrier.arrive $0xFFFF;
	s2 =	simm.s32 @!p0 $0x1C03  }
0x6f: {  	[timem:s3], [sflag:s2] =	dma.local @!p0 [hbm:s0], s1  }
0x70: {  	s0 =	simm.s32 @!p0 $0x3  }
0x71: {  	_ =	swait.ge @!p0 [sflag:s0], s1  }
0x72: {  	s1 =	ssub.s32 @!p0 $0x0, s1;
	[sflag:s0] =	ssyncset.done @!p0 $0x0  }
0x73: {  	[sflag:s0] =	ssyncadd.s32 @!p0 s1  }
0x74: {  	[bflag:$0x3] =	sbarrier.arrive $0xFFFF  }
0x75: {  	_ =	shalt  }

</sc_bundles>
